<compile_context>
chip_gen: v7x
topology: tpu7x:2x2x1
jax: 0.10.2.dev20260603
libtpu: 0.0.44.dev20260713+nightly
codegen_flags: <defaults>
</compile_context>

<pallas_src>
import jax
import jax.numpy as jnp
from jax import lax
from jax.experimental import pallas as pl
from jax.experimental.pallas import tpu as pltpu
from jax.experimental.pallas import tpu_sc as plsc

BATCH = 16384
INPUT_DIM = 39
N_DENSE = 13
N_CAT = 26
EMB_DIM = 16
OUT_DIM = N_DENSE + N_CAT * EMB_DIM
PAD = 3
PADDED = PAD + OUT_DIM

NUM_CORES = 2
NUM_SUBCORES = 16
LANES = 16
NW = NUM_CORES * NUM_SUBCORES
BPW = BATCH // NW


def _encoder_body(xT, *refs):
    tables = refs[:N_CAT]
    out = refs[N_CAT]
    idx2, dslab, dbuf, gbuf, gbuf2, sem, sem2 = refs[N_CAT + 1:]
    wid = lax.axis_index("s") * NUM_CORES + lax.axis_index("c")
    base = pl.multiple_of(wid * jnp.int32(BPW), BPW)
    lane = lax.iota(jnp.int32, LANES)

    pltpu.sync_copy(xT.at[pl.ds(N_DENSE, N_CAT), pl.ds(base, BPW)], idx2)
    pltpu.sync_copy(xT.at[pl.ds(0, N_DENSE), pl.ds(base, BPW)], dslab)

    bufs = (gbuf, gbuf2)
    sems = (sem, sem2)
    copies = [
        pltpu.async_copy(
            tables[i].at[idx2.at[jnp.int32(i)]], bufs[i % 2], sems[i % 2]
        )
        for i in range(2)
    ]

    rowsel = jnp.maximum(lane - jnp.int32(PAD), 0)

    def grp(c, carry):
        r0 = c * jnp.int32(LANES)
        for off in range(LANES):
            r = r0 + jnp.int32(off)
            vals = plsc.load_gather(
                dslab, [rowsel, jnp.full((LANES,), 0, jnp.int32) + r]
            ).astype(jnp.float32)
            dbuf[r, :] = vals
        return carry

    lax.fori_loop(0, BPW // LANES, grp, jnp.int32(0))
    pltpu.sync_copy(dbuf, out.at[pl.ds(base, BPW), pl.ds(0, PAD + N_DENSE)])

    for i in range(N_CAT):
        copies[i % 2].wait()
        pltpu.sync_copy(
            bufs[i % 2],
            out.at[pl.ds(base, BPW), pl.ds(PAD + N_DENSE + i * EMB_DIM, EMB_DIM)],
        )
        if i + 2 < N_CAT:
            copies[i % 2] = pltpu.async_copy(
                tables[i + 2].at[idx2.at[jnp.int32(i + 2)]],
                bufs[i % 2],
                sems[i % 2],
            )


@jax.jit
def _encode(xT, *tables):
    mesh = plsc.VectorSubcoreMesh(core_axis_name="c", subcore_axis_name="s")
    padded = pl.kernel(
        _encoder_body,
        mesh=mesh,
        out_type=jax.ShapeDtypeStruct((BATCH, PADDED), jnp.float32),
        scratch_types=[
            pltpu.VMEM((N_CAT, BPW), jnp.int32),
            pltpu.VMEM((N_DENSE, BPW), jnp.int32),
            pltpu.VMEM((BPW, PAD + N_DENSE), jnp.float32),
            pltpu.VMEM((BPW, EMB_DIM), jnp.float32),
            pltpu.VMEM((BPW, EMB_DIM), jnp.float32),
            pltpu.SemaphoreType.DMA,
            pltpu.SemaphoreType.DMA,
        ],
        compiler_params=pltpu.CompilerParams(
            use_tc_tiling_on_sc=False, needs_layout_passes=False
        ),
    )(xT, *tables)
    return padded[:, PAD:]


def kernel(x, emb_0, emb_1, emb_2, emb_3, emb_4, emb_5, emb_6, emb_7, emb_8,
           emb_9, emb_10, emb_11, emb_12, emb_13, emb_14, emb_15, emb_16,
           emb_17, emb_18, emb_19, emb_20, emb_21, emb_22, emb_23, emb_24,
           emb_25):
    with jax.enable_x64(False):
        xT = jnp.asarray(x, jnp.int32).T
        return _encode(xT, emb_0, emb_1, emb_2, emb_3, emb_4, emb_5, emb_6,
                       emb_7, emb_8, emb_9, emb_10, emb_11, emb_12, emb_13,
                       emb_14, emb_15, emb_16, emb_17, emb_18, emb_19,
                       emb_20, emb_21, emb_22, emb_23, emb_24, emb_25)

# --- scband reference (transcript-rebuilt; emitter-appended) ---
"""Pipeline reference for scband-tabular-row-encoder-10359461118309 (READ-ONLY COPY).

The authoritative reference and input builder live on the scoring server;
editing this copy changes nothing except your own understanding.
"""

import jax
jax.config.update("jax_enable_x64", True)
import jax.numpy as jnp
import numpy as np

BATCH = 16384
INPUT_DIM = 39
N_CAT = 26
CAT_IDXS = list(range(13, 39))
CAT_DIMS = [100000] * N_CAT
EMB_DIM = 16


def setup_inputs(seed: int = 0) -> dict:
    key = jax.random.key(seed)
    key, kx = jax.random.split(key)
    x = jax.random.randint(kx, (BATCH, INPUT_DIM), 0, 100000, dtype=jnp.int64)
    inputs = {"x": x}
    for i in range(N_CAT):
        key, kt = jax.random.split(key)
        inputs[f"emb_{i}"] = jax.random.normal(kt, (CAT_DIMS[i], EMB_DIM), dtype=jnp.float32) * 0.01
    return inputs


def reference(x, emb_0, emb_1, emb_2, emb_3, emb_4, emb_5, emb_6, emb_7,
              emb_8, emb_9, emb_10, emb_11, emb_12, emb_13, emb_14, emb_15,
              emb_16, emb_17, emb_18, emb_19, emb_20, emb_21, emb_22, emb_23,
              emb_24, emb_25):
    # Faithful translation of TabularRowEncoder.forward:
    # cat_idxs are contiguous from 13..38, so dense block x[:, 0:13] comes first,
    # followed by one embedding lookup per categorical column; nothing trails.
    tables = {
        "emb_0": emb_0, "emb_1": emb_1, "emb_2": emb_2, "emb_3": emb_3,
        "emb_4": emb_4, "emb_5": emb_5, "emb_6": emb_6, "emb_7": emb_7,
        "emb_8": emb_8, "emb_9": emb_9, "emb_10": emb_10, "emb_11": emb_11,
        "emb_12": emb_12, "emb_13": emb_13, "emb_14": emb_14, "emb_15": emb_15,
        "emb_16": emb_16, "emb_17": emb_17, "emb_18": emb_18, "emb_19": emb_19,
        "emb_20": emb_20, "emb_21": emb_21, "emb_22": emb_22, "emb_23": emb_23,
        "emb_24": emb_24, "emb_25": emb_25,
    }
    cols = []
    prev_cat_idx = -1
    for cat_feat_counter, cat_idx in enumerate(CAT_IDXS):
        if cat_idx > prev_cat_idx + 1:
            cols.append(x[:, prev_cat_idx + 1:cat_idx].astype(jnp.float32))
        table = tables[f"emb_{cat_feat_counter}"]
        cols.append(jnp.take(table, x[:, cat_idx].astype(jnp.int64), axis=0))
        prev_cat_idx = cat_idx
    if prev_cat_idx + 1 < x.shape[1]:
        cols.append(x[:, prev_cat_idx + 1:].astype(jnp.float32))
    post_embeddings = jnp.concatenate(cols, axis=1)
    return post_embeddings

if __name__ == "__main__":
    import jax
    _d = setup_inputs()
    print(jax.jit(kernel)(*tuple(_d.values())))

</pallas_src>

<mosaic_0001>
#map = affine_map<(d0, d1) -> (0, 0)>
module attributes {stable_mosaic.version = 14 : i64} {
  func.func @_encoder_body(%arg0: i32, %arg1: i32, %arg2: memref<39x16384xi32, #tpu.memory_space<hbm>>, %arg3: memref<100000x16xf32, #tpu.memory_space<hbm>>, %arg4: memref<100000x16xf32, #tpu.memory_space<hbm>>, %arg5: memref<100000x16xf32, #tpu.memory_space<hbm>>, %arg6: memref<100000x16xf32, #tpu.memory_space<hbm>>, %arg7: memref<100000x16xf32, #tpu.memory_space<hbm>>, %arg8: memref<100000x16xf32, #tpu.memory_space<hbm>>, %arg9: memref<100000x16xf32, #tpu.memory_space<hbm>>, %arg10: memref<100000x16xf32, #tpu.memory_space<hbm>>, %arg11: memref<100000x16xf32, #tpu.memory_space<hbm>>, %arg12: memref<100000x16xf32, #tpu.memory_space<hbm>>, %arg13: memref<100000x16xf32, #tpu.memory_space<hbm>>, %arg14: memref<100000x16xf32, #tpu.memory_space<hbm>>, %arg15: memref<100000x16xf32, #tpu.memory_space<hbm>>, %arg16: memref<100000x16xf32, #tpu.memory_space<hbm>>, %arg17: memref<100000x16xf32, #tpu.memory_space<hbm>>, %arg18: memref<100000x16xf32, #tpu.memory_space<hbm>>, %arg19: memref<100000x16xf32, #tpu.memory_space<hbm>>, %arg20: memref<100000x16xf32, #tpu.memory_space<hbm>>, %arg21: memref<100000x16xf32, #tpu.memory_space<hbm>>, %arg22: memref<100000x16xf32, #tpu.memory_space<hbm>>, %arg23: memref<100000x16xf32, #tpu.memory_space<hbm>>, %arg24: memref<100000x16xf32, #tpu.memory_space<hbm>>, %arg25: memref<100000x16xf32, #tpu.memory_space<hbm>>, %arg26: memref<100000x16xf32, #tpu.memory_space<hbm>>, %arg27: memref<100000x16xf32, #tpu.memory_space<hbm>>, %arg28: memref<100000x16xf32, #tpu.memory_space<hbm>>, %arg29: memref<16384x432xf32, #tpu.memory_space<hbm>>, %arg30: memref<26x512xi32, #tpu.memory_space<vmem>>, %arg31: memref<13x512xi32, #tpu.memory_space<vmem>>, %arg32: memref<512x16xf32, #tpu.memory_space<vmem>>, %arg33: memref<512x16xf32, #tpu.memory_space<vmem>>, %arg34: memref<512x16xf32, #tpu.memory_space<vmem>>, %arg35: memref<!tpu.dma_semaphore, #tpu.memory_space<semaphore_mem>>, %arg36: memref<!tpu.dma_semaphore, #tpu.memory_space<semaphore_mem>>) attributes {dimension_semantics = [#tpu.dimension_semantics<core_parallel>, #tpu.dimension_semantics<subcore_parallel>], iteration_bounds = array<i64: 2, 16>, scalar_prefetch = 0 : i64, scratch_operands = 7 : i64, tpu.core_type = #tpu.core_type<sc_vector_subcore>, window_params = [{transform_indices = #map}, {transform_indices = #map}, {transform_indices = #map}, {transform_indices = #map}, {transform_indices = #map}, {transform_indices = #map}, {transform_indices = #map}, {transform_indices = #map}, {transform_indices = #map}, {transform_indices = #map}, {transform_indices = #map}, {transform_indices = #map}, {transform_indices = #map}, {transform_indices = #map}, {transform_indices = #map}, {transform_indices = #map}, {transform_indices = #map}, {transform_indices = #map}, {transform_indices = #map}, {transform_indices = #map}, {transform_indices = #map}, {transform_indices = #map}, {transform_indices = #map}, {transform_indices = #map}, {transform_indices = #map}, {transform_indices = #map}, {transform_indices = #map}, {transform_indices = #map}]} {
    %mul3A = arith.constant 2 : i32
    %mul3A_0 = arith.muli %arg1, %mul3A : i32
    %add3A = arith.addi %mul3A_0, %arg0 : i32
    %mul3A_1 = arith.constant 512 : i32
    %mul3A_2 = arith.muli %add3A, %mul3A_1 : i32
    %multiple_of3A = tpu.assume_multiple %mul3A_2, 512 : i32
    %iota3A = tpu.iota {dimensions = array<i32: 0>} : vector<16xi32>
    "tpu.region"() ({
      %run_scoped3A = tpu.sem_alloc : memref<!tpu.dma_semaphore, #tpu.memory_space<semaphore_mem>>
      %dma_start3A_374 = arith.constant 13 : i32
      %dma_start3A_375 = tpu.memref_slice %arg2[%dma_start3A_374, %multiple_of3A] : memref<39x16384xi32, #tpu.memory_space<hbm>> -> memref<26x512xi32, #tpu.memory_space<hbm>>
      %dma_start3A_376 = arith.constant 13 : i32
      %dma_start3A_377 = tpu.memref_slice %arg2[%dma_start3A_376, %multiple_of3A] : memref<39x16384xi32, #tpu.memory_space<hbm>> -> memref<26x512xi32, #tpu.memory_space<hbm>>
      tpu.enqueue_dma source(%dma_start3A_377 : memref<26x512xi32, #tpu.memory_space<hbm>>) target(%arg30 : memref<26x512xi32, #tpu.memory_space<vmem>>) target_semaphore(%run_scoped3A : memref<!tpu.dma_semaphore, #tpu.memory_space<semaphore_mem>>)
      %dma_wait3A_378 = arith.constant 13 : i32
      %dma_wait3A_379 = tpu.memref_slice %arg2[%dma_wait3A_378, %multiple_of3A] : memref<39x16384xi32, #tpu.memory_space<hbm>> -> memref<26x512xi32, #tpu.memory_space<hbm>>
      %dma_wait3A_380 = arith.constant 13 : i32
      %dma_wait3A_381 = tpu.memref_slice %arg2[%dma_wait3A_380, %multiple_of3A] : memref<39x16384xi32, #tpu.memory_space<hbm>> -> memref<26x512xi32, #tpu.memory_space<hbm>>
      tpu.wait_dma2 semaphore(%run_scoped3A : memref<!tpu.dma_semaphore, #tpu.memory_space<semaphore_mem>>) src(%dma_wait3A_381 : memref<26x512xi32, #tpu.memory_space<hbm>>) dst(%arg30 : memref<26x512xi32, #tpu.memory_space<vmem>>)
      tpu.yield
    }) : () -> ()
    "tpu.region"() ({
      %run_scoped3A = tpu.sem_alloc : memref<!tpu.dma_semaphore, #tpu.memory_space<semaphore_mem>>
      %dma_start3A_374 = arith.constant 0 : i32
      %dma_start3A_375 = tpu.memref_slice %arg2[%dma_start3A_374, %multiple_of3A] : memref<39x16384xi32, #tpu.memory_space<hbm>> -> memref<13x512xi32, #tpu.memory_space<hbm>>
      %dma_start3A_376 = arith.constant 0 : i32
      %dma_start3A_377 = tpu.memref_slice %arg2[%dma_start3A_376, %multiple_of3A] : memref<39x16384xi32, #tpu.memory_space<hbm>> -> memref<13x512xi32, #tpu.memory_space<hbm>>
      tpu.enqueue_dma source(%dma_start3A_377 : memref<13x512xi32, #tpu.memory_space<hbm>>) target(%arg31 : memref<13x512xi32, #tpu.memory_space<vmem>>) target_semaphore(%run_scoped3A : memref<!tpu.dma_semaphore, #tpu.memory_space<semaphore_mem>>)
      %dma_wait3A_378 = arith.constant 0 : i32
      %dma_wait3A_379 = tpu.memref_slice %arg2[%dma_wait3A_378, %multiple_of3A] : memref<39x16384xi32, #tpu.memory_space<hbm>> -> memref<13x512xi32, #tpu.memory_space<hbm>>
      %dma_wait3A_380 = arith.constant 0 : i32
      %dma_wait3A_381 = tpu.memref_slice %arg2[%dma_wait3A_380, %multiple_of3A] : memref<39x16384xi32, #tpu.memory_space<hbm>> -> memref<13x512xi32, #tpu.memory_space<hbm>>
      tpu.wait_dma2 semaphore(%run_scoped3A : memref<!tpu.dma_semaphore, #tpu.memory_space<semaphore_mem>>) src(%dma_wait3A_381 : memref<13x512xi32, #tpu.memory_space<hbm>>) dst(%arg31 : memref<13x512xi32, #tpu.memory_space<vmem>>)
      tpu.yield
    }) : () -> ()
    %dma_start3A = arith.constant 0 : i32
    %dma_start3A_3 = arith.constant 0 : i32
    %dma_start3A_4 = tpu.memref_slice %arg30[%dma_start3A, %dma_start3A_3] : memref<26x512xi32, #tpu.memory_space<vmem>> -> memref<1x512xi32, #tpu.memory_space<vmem>>
    %dma_start3A_5 = tpu.memref_squeeze %dma_start3A_4 : memref<1x512xi32, #tpu.memory_space<vmem>> -> memref<512xi32, #tpu.memory_space<vmem>>
    %dma_start3A_6 = arith.constant 0 : i32
    %dma_start3A_7 = arith.constant 0 : i32
    %dma_start3A_8 = tpu.memref_slice %arg3[%dma_start3A_6, %dma_start3A_7] : memref<100000x16xf32, #tpu.memory_space<hbm>> -> memref<100000x16xf32, #tpu.memory_space<hbm>>
    tpu.enqueue_indirect_dma source(%dma_start3A_8 : memref<100000x16xf32, #tpu.memory_space<hbm>>) target(%arg33 : memref<512x16xf32, #tpu.memory_space<vmem>>) offsets(%dma_start3A_5 : memref<512xi32, #tpu.memory_space<vmem>>) semaphore(%arg35 : memref<!tpu.dma_semaphore, #tpu.memory_space<semaphore_mem>>)
    %dma_start3A_9 = arith.constant 1 : i32
    %dma_start3A_10 = arith.constant 0 : i32
    %dma_start3A_11 = tpu.memref_slice %arg30[%dma_start3A_9, %dma_start3A_10] : memref<26x512xi32, #tpu.memory_space<vmem>> -> memref<1x512xi32, #tpu.memory_space<vmem>>
    %dma_start3A_12 = tpu.memref_squeeze %dma_start3A_11 : memref<1x512xi32, #tpu.memory_space<vmem>> -> memref<512xi32, #tpu.memory_space<vmem>>
    %dma_start3A_13 = arith.constant 0 : i32
    %dma_start3A_14 = arith.constant 0 : i32
    %dma_start3A_15 = tpu.memref_slice %arg4[%dma_start3A_13, %dma_start3A_14] : memref<100000x16xf32, #tpu.memory_space<hbm>> -> memref<100000x16xf32, #tpu.memory_space<hbm>>
    tpu.enqueue_indirect_dma source(%dma_start3A_15 : memref<100000x16xf32, #tpu.memory_space<hbm>>) target(%arg34 : memref<512x16xf32, #tpu.memory_space<vmem>>) offsets(%dma_start3A_12 : memref<512xi32, #tpu.memory_space<vmem>>) semaphore(%arg36 : memref<!tpu.dma_semaphore, #tpu.memory_space<semaphore_mem>>)
    %sub3A = arith.constant 3 : i32
    %sub3A_16 = vector.broadcast %sub3A : i32 to vector<16xi32>
    %sub3A_17 = arith.subi %iota3A, %sub3A_16 : vector<16xi32>
    %max3A = arith.constant 0 : i32
    %max3A_18 = vector.broadcast %max3A : i32 to vector<16xi32>
    %max3A_19 = arith.maxsi %sub3A_17, %max3A_18 : vector<16xi32>
    %scan3A = arith.constant 0 : i32
    %scan3A_20 = arith.constant 0 : i32
    %scan3A_21 = arith.constant 32 : i32
    %scan3A_22 = arith.addi %scan3A_20, %scan3A_21 : i32
    %scan3A_23 = arith.constant 1 : i32
    scf.for %scan3A_374 = %scan3A_20 to %scan3A_22 step %scan3A_23  : i32 {
      %mul3A_375 = arith.constant 16 : i32
      %mul3A_376 = arith.muli %scan3A_374, %mul3A_375 : i32
      %add3A_377 = arith.constant 0 : i32
      %add3A_378 = arith.addi %mul3A_376, %add3A_377 : i32
      %broadcast_in_dim3A = arith.constant 0 : i32
      %broadcast_in_dim3A_379 = vector.broadcast %broadcast_in_dim3A : i32 to vector<16xi32>
      %add3A_380 = vector.broadcast %add3A_378 : i32 to vector<16xi32>
      %add3A_381 = arith.addi %broadcast_in_dim3A_379, %add3A_380 : vector<16xi32>
      %gather3A = tpu.vector_load_idx %arg31[%max3A_19, %add3A_381] : memref<13x512xi32, #tpu.memory_space<vmem>>[vector<16xi32>, vector<16xi32>], vector<16xi32>,
      %convert_element_type3A = arith.sitofp %gather3A : vector<16xi32> to vector<16xf32>
      %swap3A = arith.index_cast %add3A_378 : i32 to index
      %swap3A_382 = arith.constant 0 : index
      %swap3A_383 = tpu.vector_load %arg32[%swap3A, %swap3A_382] {strides = array<i32>} : memref<512x16xf32, #tpu.memory_space<vmem>>, vector<16xf32>,
      tpu.vector_store %arg32[%swap3A, %swap3A_382], %convert_element_type3A {strides = array<i32>} : memref<512x16xf32, #tpu.memory_space<vmem>>, vector<16xf32>,
      %add3A_384 = arith.constant 1 : i32
      %add3A_385 = arith.addi %mul3A_376, %add3A_384 : i32
      %broadcast_in_dim3A_386 = arith.constant 0 : i32
      %broadcast_in_dim3A_387 = vector.broadcast %broadcast_in_dim3A_386 : i32 to vector<16xi32>
      %add3A_388 = vector.broadcast %add3A_385 : i32 to vector<16xi32>
      %add3A_389 = arith.addi %broadcast_in_dim3A_387, %add3A_388 : vector<16xi32>
      %gather3A_390 = tpu.vector_load_idx %arg31[%max3A_19, %add3A_389] : memref<13x512xi32, #tpu.memory_space<vmem>>[vector<16xi32>, vector<16xi32>], vector<16xi32>,
      %convert_element_type3A_391 = arith.sitofp %gather3A_390 : vector<16xi32> to vector<16xf32>
      %swap3A_392 = arith.index_cast %add3A_385 : i32 to index
      %swap3A_393 = arith.constant 0 : index
      %swap3A_394 = tpu.vector_load %arg32[%swap3A_392, %swap3A_393] {strides = array<i32>} : memref<512x16xf32, #tpu.memory_space<vmem>>, vector<16xf32>,
      tpu.vector_store %arg32[%swap3A_392, %swap3A_393], %convert_element_type3A_391 {strides = array<i32>} : memref<512x16xf32, #tpu.memory_space<vmem>>, vector<16xf32>,
      %add3A_395 = arith.constant 2 : i32
      %add3A_396 = arith.addi %mul3A_376, %add3A_395 : i32
      %broadcast_in_dim3A_397 = arith.constant 0 : i32
      %broadcast_in_dim3A_398 = vector.broadcast %broadcast_in_dim3A_397 : i32 to vector<16xi32>
      %add3A_399 = vector.broadcast %add3A_396 : i32 to vector<16xi32>
      %add3A_400 = arith.addi %broadcast_in_dim3A_398, %add3A_399 : vector<16xi32>
      %gather3A_401 = tpu.vector_load_idx %arg31[%max3A_19, %add3A_400] : memref<13x512xi32, #tpu.memory_space<vmem>>[vector<16xi32>, vector<16xi32>], vector<16xi32>,
      %convert_element_type3A_402 = arith.sitofp %gather3A_401 : vector<16xi32> to vector<16xf32>
      %swap3A_403 = arith.index_cast %add3A_396 : i32 to index
      %swap3A_404 = arith.constant 0 : index
      %swap3A_405 = tpu.vector_load %arg32[%swap3A_403, %swap3A_404] {strides = array<i32>} : memref<512x16xf32, #tpu.memory_space<vmem>>, vector<16xf32>,
      tpu.vector_store %arg32[%swap3A_403, %swap3A_404], %convert_element_type3A_402 {strides = array<i32>} : memref<512x16xf32, #tpu.memory_space<vmem>>, vector<16xf32>,
      %add3A_406 = arith.constant 3 : i32
      %add3A_407 = arith.addi %mul3A_376, %add3A_406 : i32
      %broadcast_in_dim3A_408 = arith.constant 0 : i32
      %broadcast_in_dim3A_409 = vector.broadcast %broadcast_in_dim3A_408 : i32 to vector<16xi32>
      %add3A_410 = vector.broadcast %add3A_407 : i32 to vector<16xi32>
      %add3A_411 = arith.addi %broadcast_in_dim3A_409, %add3A_410 : vector<16xi32>
      %gather3A_412 = tpu.vector_load_idx %arg31[%max3A_19, %add3A_411] : memref<13x512xi32, #tpu.memory_space<vmem>>[vector<16xi32>, vector<16xi32>], vector<16xi32>,
      %convert_element_type3A_413 = arith.sitofp %gather3A_412 : vector<16xi32> to vector<16xf32>
      %swap3A_414 = arith.index_cast %add3A_407 : i32 to index
      %swap3A_415 = arith.constant 0 : index
      %swap3A_416 = tpu.vector_load %arg32[%swap3A_414, %swap3A_415] {strides = array<i32>} : memref<512x16xf32, #tpu.memory_space<vmem>>, vector<16xf32>,
      tpu.vector_store %arg32[%swap3A_414, %swap3A_415], %convert_element_type3A_413 {strides = array<i32>} : memref<512x16xf32, #tpu.memory_space<vmem>>, vector<16xf32>,
      %add3A_417 = arith.constant 4 : i32
      %add3A_418 = arith.addi %mul3A_376, %add3A_417 : i32
      %broadcast_in_dim3A_419 = arith.constant 0 : i32
      %broadcast_in_dim3A_420 = vector.broadcast %broadcast_in_dim3A_419 : i32 to vector<16xi32>
      %add3A_421 = vector.broadcast %add3A_418 : i32 to vector<16xi32>
      %add3A_422 = arith.addi %broadcast_in_dim3A_420, %add3A_421 : vector<16xi32>
      %gather3A_423 = tpu.vector_load_idx %arg31[%max3A_19, %add3A_422] : memref<13x512xi32, #tpu.memory_space<vmem>>[vector<16xi32>, vector<16xi32>], vector<16xi32>,
      %convert_element_type3A_424 = arith.sitofp %gather3A_423 : vector<16xi32> to vector<16xf32>
      %swap3A_425 = arith.index_cast %add3A_418 : i32 to index
      %swap3A_426 = arith.constant 0 : index
      %swap3A_427 = tpu.vector_load %arg32[%swap3A_425, %swap3A_426] {strides = array<i32>} : memref<512x16xf32, #tpu.memory_space<vmem>>, vector<16xf32>,
      tpu.vector_store %arg32[%swap3A_425, %swap3A_426], %convert_element_type3A_424 {strides = array<i32>} : memref<512x16xf32, #tpu.memory_space<vmem>>, vector<16xf32>,
      %add3A_428 = arith.constant 5 : i32
      %add3A_429 = arith.addi %mul3A_376, %add3A_428 : i32
      %broadcast_in_dim3A_430 = arith.constant 0 : i32
      %broadcast_in_dim3A_431 = vector.broadcast %broadcast_in_dim3A_430 : i32 to vector<16xi32>
      %add3A_432 = vector.broadcast %add3A_429 : i32 to vector<16xi32>
      %add3A_433 = arith.addi %broadcast_in_dim3A_431, %add3A_432 : vector<16xi32>
      %gather3A_434 = tpu.vector_load_idx %arg31[%max3A_19, %add3A_433] : memref<13x512xi32, #tpu.memory_space<vmem>>[vector<16xi32>, vector<16xi32>], vector<16xi32>,
      %convert_element_type3A_435 = arith.sitofp %gather3A_434 : vector<16xi32> to vector<16xf32>
      %swap3A_436 = arith.index_cast %add3A_429 : i32 to index
      %swap3A_437 = arith.constant 0 : index
      %swap3A_438 = tpu.vector_load %arg32[%swap3A_436, %swap3A_437] {strides = array<i32>} : memref<512x16xf32, #tpu.memory_space<vmem>>, vector<16xf32>,
      tpu.vector_store %arg32[%swap3A_436, %swap3A_437], %convert_element_type3A_435 {strides = array<i32>} : memref<512x16xf32, #tpu.memory_space<vmem>>, vector<16xf32>,
      %add3A_439 = arith.constant 6 : i32
      %add3A_440 = arith.addi %mul3A_376, %add3A_439 : i32
      %broadcast_in_dim3A_441 = arith.constant 0 : i32
      %broadcast_in_dim3A_442 = vector.broadcast %broadcast_in_dim3A_441 : i32 to vector<16xi32>
      %add3A_443 = vector.broadcast %add3A_440 : i32 to vector<16xi32>
      %add3A_444 = arith.addi %broadcast_in_dim3A_442, %add3A_443 : vector<16xi32>
      %gather3A_445 = tpu.vector_load_idx %arg31[%max3A_19, %add3A_444] : memref<13x512xi32, #tpu.memory_space<vmem>>[vector<16xi32>, vector<16xi32>], vector<16xi32>,
      %convert_element_type3A_446 = arith.sitofp %gather3A_445 : vector<16xi32> to vector<16xf32>
      %swap3A_447 = arith.index_cast %add3A_440 : i32 to index
      %swap3A_448 = arith.constant 0 : index
      %swap3A_449 = tpu.vector_load %arg32[%swap3A_447, %swap3A_448] {strides = array<i32>} : memref<512x16xf32, #tpu.memory_space<vmem>>, vector<16xf32>,
      tpu.vector_store %arg32[%swap3A_447, %swap3A_448], %convert_element_type3A_446 {strides = array<i32>} : memref<512x16xf32, #tpu.memory_space<vmem>>, vector<16xf32>,
      %add3A_450 = arith.constant 7 : i32
      %add3A_451 = arith.addi %mul3A_376, %add3A_450 : i32
      %broadcast_in_dim3A_452 = arith.constant 0 : i32
      %broadcast_in_dim3A_453 = vector.broadcast %broadcast_in_dim3A_452 : i32 to vector<16xi32>
      %add3A_454 = vector.broadcast %add3A_451 : i32 to vector<16xi32>
      %add3A_455 = arith.addi %broadcast_in_dim3A_453, %add3A_454 : vector<16xi32>
      %gather3A_456 = tpu.vector_load_idx %arg31[%max3A_19, %add3A_455] : memref<13x512xi32, #tpu.memory_space<vmem>>[vector<16xi32>, vector<16xi32>], vector<16xi32>,
      %convert_element_type3A_457 = arith.sitofp %gather3A_456 : vector<16xi32> to vector<16xf32>
      %swap3A_458 = arith.index_cast %add3A_451 : i32 to index
      %swap3A_459 = arith.constant 0 : index
      %swap3A_460 = tpu.vector_load %arg32[%swap3A_458, %swap3A_459] {strides = array<i32>} : memref<512x16xf32, #tpu.memory_space<vmem>>, vector<16xf32>,
      tpu.vector_store %arg32[%swap3A_458, %swap3A_459], %convert_element_type3A_457 {strides = array<i32>} : memref<512x16xf32, #tpu.memory_space<vmem>>, vector<16xf32>,
      %add3A_461 = arith.constant 8 : i32
      %add3A_462 = arith.addi %mul3A_376, %add3A_461 : i32
      %broadcast_in_dim3A_463 = arith.constant 0 : i32
      %broadcast_in_dim3A_464 = vector.broadcast %broadcast_in_dim3A_463 : i32 to vector<16xi32>
      %add3A_465 = vector.broadcast %add3A_462 : i32 to vector<16xi32>
      %add3A_466 = arith.addi %broadcast_in_dim3A_464, %add3A_465 : vector<16xi32>
      %gather3A_467 = tpu.vector_load_idx %arg31[%max3A_19, %add3A_466] : memref<13x512xi32, #tpu.memory_space<vmem>>[vector<16xi32>, vector<16xi32>], vector<16xi32>,
      %convert_element_type3A_468 = arith.sitofp %gather3A_467 : vector<16xi32> to vector<16xf32>
      %swap3A_469 = arith.index_cast %add3A_462 : i32 to index
      %swap3A_470 = arith.constant 0 : index
      %swap3A_471 = tpu.vector_load %arg32[%swap3A_469, %swap3A_470] {strides = array<i32>} : memref<512x16xf32, #tpu.memory_space<vmem>>, vector<16xf32>,
      tpu.vector_store %arg32[%swap3A_469, %swap3A_470], %convert_element_type3A_468 {strides = array<i32>} : memref<512x16xf32, #tpu.memory_space<vmem>>, vector<16xf32>,
      %add3A_472 = arith.constant 9 : i32
      %add3A_473 = arith.addi %mul3A_376, %add3A_472 : i32
      %broadcast_in_dim3A_474 = arith.constant 0 : i32
      %broadcast_in_dim3A_475 = vector.broadcast %broadcast_in_dim3A_474 : i32 to vector<16xi32>
      %add3A_476 = vector.broadcast %add3A_473 : i32 to vector<16xi32>
      %add3A_477 = arith.addi %broadcast_in_dim3A_475, %add3A_476 : vector<16xi32>
      %gather3A_478 = tpu.vector_load_idx %arg31[%max3A_19, %add3A_477] : memref<13x512xi32, #tpu.memory_space<vmem>>[vector<16xi32>, vector<16xi32>], vector<16xi32>,
      %convert_element_type3A_479 = arith.sitofp %gather3A_478 : vector<16xi32> to vector<16xf32>
      %swap3A_480 = arith.index_cast %add3A_473 : i32 to index
      %swap3A_481 = arith.constant 0 : index
      %swap3A_482 = tpu.vector_load %arg32[%swap3A_480, %swap3A_481] {strides = array<i32>} : memref<512x16xf32, #tpu.memory_space<vmem>>, vector<16xf32>,
      tpu.vector_store %arg32[%swap3A_480, %swap3A_481], %convert_element_type3A_479 {strides = array<i32>} : memref<512x16xf32, #tpu.memory_space<vmem>>, vector<16xf32>,
      %add3A_483 = arith.constant 10 : i32
      %add3A_484 = arith.addi %mul3A_376, %add3A_483 : i32
      %broadcast_in_dim3A_485 = arith.constant 0 : i32
      %broadcast_in_dim3A_486 = vector.broadcast %broadcast_in_dim3A_485 : i32 to vector<16xi32>
      %add3A_487 = vector.broadcast %add3A_484 : i32 to vector<16xi32>
      %add3A_488 = arith.addi %broadcast_in_dim3A_486, %add3A_487 : vector<16xi32>
      %gather3A_489 = tpu.vector_load_idx %arg31[%max3A_19, %add3A_488] : memref<13x512xi32, #tpu.memory_space<vmem>>[vector<16xi32>, vector<16xi32>], vector<16xi32>,
      %convert_element_type3A_490 = arith.sitofp %gather3A_489 : vector<16xi32> to vector<16xf32>
      %swap3A_491 = arith.index_cast %add3A_484 : i32 to index
      %swap3A_492 = arith.constant 0 : index
      %swap3A_493 = tpu.vector_load %arg32[%swap3A_491, %swap3A_492] {strides = array<i32>} : memref<512x16xf32, #tpu.memory_space<vmem>>, vector<16xf32>,
      tpu.vector_store %arg32[%swap3A_491, %swap3A_492], %convert_element_type3A_490 {strides = array<i32>} : memref<512x16xf32, #tpu.memory_space<vmem>>, vector<16xf32>,
      %add3A_494 = arith.constant 11 : i32
      %add3A_495 = arith.addi %mul3A_376, %add3A_494 : i32
      %broadcast_in_dim3A_496 = arith.constant 0 : i32
      %broadcast_in_dim3A_497 = vector.broadcast %broadcast_in_dim3A_496 : i32 to vector<16xi32>
      %add3A_498 = vector.broadcast %add3A_495 : i32 to vector<16xi32>
      %add3A_499 = arith.addi %broadcast_in_dim3A_497, %add3A_498 : vector<16xi32>
      %gather3A_500 = tpu.vector_load_idx %arg31[%max3A_19, %add3A_499] : memref<13x512xi32, #tpu.memory_space<vmem>>[vector<16xi32>, vector<16xi32>], vector<16xi32>,
      %convert_element_type3A_501 = arith.sitofp %gather3A_500 : vector<16xi32> to vector<16xf32>
      %swap3A_502 = arith.index_cast %add3A_495 : i32 to index
      %swap3A_503 = arith.constant 0 : index
      %swap3A_504 = tpu.vector_load %arg32[%swap3A_502, %swap3A_503] {strides = array<i32>} : memref<512x16xf32, #tpu.memory_space<vmem>>, vector<16xf32>,
      tpu.vector_store %arg32[%swap3A_502, %swap3A_503], %convert_element_type3A_501 {strides = array<i32>} : memref<512x16xf32, #tpu.memory_space<vmem>>, vector<16xf32>,
      %add3A_505 = arith.constant 12 : i32
      %add3A_506 = arith.addi %mul3A_376, %add3A_505 : i32
      %broadcast_in_dim3A_507 = arith.constant 0 : i32
      %broadcast_in_dim3A_508 = vector.broadcast %broadcast_in_dim3A_507 : i32 to vector<16xi32>
      %add3A_509 = vector.broadcast %add3A_506 : i32 to vector<16xi32>
      %add3A_510 = arith.addi %broadcast_in_dim3A_508, %add3A_509 : vector<16xi32>
      %gather3A_511 = tpu.vector_load_idx %arg31[%max3A_19, %add3A_510] : memref<13x512xi32, #tpu.memory_space<vmem>>[vector<16xi32>, vector<16xi32>], vector<16xi32>,
      %convert_element_type3A_512 = arith.sitofp %gather3A_511 : vector<16xi32> to vector<16xf32>
      %swap3A_513 = arith.index_cast %add3A_506 : i32 to index
      %swap3A_514 = arith.constant 0 : index
      %swap3A_515 = tpu.vector_load %arg32[%swap3A_513, %swap3A_514] {strides = array<i32>} : memref<512x16xf32, #tpu.memory_space<vmem>>, vector<16xf32>,
      tpu.vector_store %arg32[%swap3A_513, %swap3A_514], %convert_element_type3A_512 {strides = array<i32>} : memref<512x16xf32, #tpu.memory_space<vmem>>, vector<16xf32>,
      %add3A_516 = arith.constant 13 : i32
      %add3A_517 = arith.addi %mul3A_376, %add3A_516 : i32
      %broadcast_in_dim3A_518 = arith.constant 0 : i32
      %broadcast_in_dim3A_519 = vector.broadcast %broadcast_in_dim3A_518 : i32 to vector<16xi32>
      %add3A_520 = vector.broadcast %add3A_517 : i32 to vector<16xi32>
      %add3A_521 = arith.addi %broadcast_in_dim3A_519, %add3A_520 : vector<16xi32>
      %gather3A_522 = tpu.vector_load_idx %arg31[%max3A_19, %add3A_521] : memref<13x512xi32, #tpu.memory_space<vmem>>[vector<16xi32>, vector<16xi32>], vector<16xi32>,
      %convert_element_type3A_523 = arith.sitofp %gather3A_522 : vector<16xi32> to vector<16xf32>
      %swap3A_524 = arith.index_cast %add3A_517 : i32 to index
      %swap3A_525 = arith.constant 0 : index
      %swap3A_526 = tpu.vector_load %arg32[%swap3A_524, %swap3A_525] {strides = array<i32>} : memref<512x16xf32, #tpu.memory_space<vmem>>, vector<16xf32>,
      tpu.vector_store %arg32[%swap3A_524, %swap3A_525], %convert_element_type3A_523 {strides = array<i32>} : memref<512x16xf32, #tpu.memory_space<vmem>>, vector<16xf32>,
      %add3A_527 = arith.constant 14 : i32
      %add3A_528 = arith.addi %mul3A_376, %add3A_527 : i32
      %broadcast_in_dim3A_529 = arith.constant 0 : i32
      %broadcast_in_dim3A_530 = vector.broadcast %broadcast_in_dim3A_529 : i32 to vector<16xi32>
      %add3A_531 = vector.broadcast %add3A_528 : i32 to vector<16xi32>
      %add3A_532 = arith.addi %broadcast_in_dim3A_530, %add3A_531 : vector<16xi32>
      %gather3A_533 = tpu.vector_load_idx %arg31[%max3A_19, %add3A_532] : memref<13x512xi32, #tpu.memory_space<vmem>>[vector<16xi32>, vector<16xi32>], vector<16xi32>,
      %convert_element_type3A_534 = arith.sitofp %gather3A_533 : vector<16xi32> to vector<16xf32>
      %swap3A_535 = arith.index_cast %add3A_528 : i32 to index
      %swap3A_536 = arith.constant 0 : index
      %swap3A_537 = tpu.vector_load %arg32[%swap3A_535, %swap3A_536] {strides = array<i32>} : memref<512x16xf32, #tpu.memory_space<vmem>>, vector<16xf32>,
      tpu.vector_store %arg32[%swap3A_535, %swap3A_536], %convert_element_type3A_534 {strides = array<i32>} : memref<512x16xf32, #tpu.memory_space<vmem>>, vector<16xf32>,
      %add3A_538 = arith.constant 15 : i32
      %add3A_539 = arith.addi %mul3A_376, %add3A_538 : i32
      %broadcast_in_dim3A_540 = arith.constant 0 : i32
      %broadcast_in_dim3A_541 = vector.broadcast %broadcast_in_dim3A_540 : i32 to vector<16xi32>
      %add3A_542 = vector.broadcast %add3A_539 : i32 to vector<16xi32>
      %add3A_543 = arith.addi %broadcast_in_dim3A_541, %add3A_542 : vector<16xi32>
      %gather3A_544 = tpu.vector_load_idx %arg31[%max3A_19, %add3A_543] : memref<13x512xi32, #tpu.memory_space<vmem>>[vector<16xi32>, vector<16xi32>], vector<16xi32>,
      %convert_element_type3A_545 = arith.sitofp %gather3A_544 : vector<16xi32> to vector<16xf32>
      %swap3A_546 = arith.index_cast %add3A_539 : i32 to index
      %swap3A_547 = arith.constant 0 : index
      %swap3A_548 = tpu.vector_load %arg32[%swap3A_546, %swap3A_547] {strides = array<i32>} : memref<512x16xf32, #tpu.memory_space<vmem>>, vector<16xf32>,
      tpu.vector_store %arg32[%swap3A_546, %swap3A_547], %convert_element_type3A_545 {strides = array<i32>} : memref<512x16xf32, #tpu.memory_space<vmem>>, vector<16xf32>,
    }
    %scan3A_24 = arith.constant 32 : i32
    "tpu.region"() ({
      %run_scoped3A = tpu.sem_alloc : memref<!tpu.dma_semaphore, #tpu.memory_space<semaphore_mem>>
      %dma_start3A_374 = arith.constant 0 : i32
      %dma_start3A_375 = tpu.memref_slice %arg29[%multiple_of3A, %dma_start3A_374] : memref<16384x432xf32, #tpu.memory_space<hbm>> -> memref<512x16xf32, #tpu.memory_space<hbm>>
      %dma_start3A_376 = arith.constant 0 : i32
      %dma_start3A_377 = tpu.memref_slice %arg29[%multiple_of3A, %dma_start3A_376] : memref<16384x432xf32, #tpu.memory_space<hbm>> -> memref<512x16xf32, #tpu.memory_space<hbm>>
      tpu.enqueue_dma source(%arg32 : memref<512x16xf32, #tpu.memory_space<vmem>>) target(%dma_start3A_377 : memref<512x16xf32, #tpu.memory_space<hbm>>) target_semaphore(%run_scoped3A : memref<!tpu.dma_semaphore, #tpu.memory_space<semaphore_mem>>)
      %dma_wait3A_378 = arith.constant 0 : i32
      %dma_wait3A_379 = tpu.memref_slice %arg29[%multiple_of3A, %dma_wait3A_378] : memref<16384x432xf32, #tpu.memory_space<hbm>> -> memref<512x16xf32, #tpu.memory_space<hbm>>
      %dma_wait3A_380 = arith.constant 0 : i32
      %dma_wait3A_381 = tpu.memref_slice %arg29[%multiple_of3A, %dma_wait3A_380] : memref<16384x432xf32, #tpu.memory_space<hbm>> -> memref<512x16xf32, #tpu.memory_space<hbm>>
      tpu.wait_dma2 semaphore(%run_scoped3A : memref<!tpu.dma_semaphore, #tpu.memory_space<semaphore_mem>>) src(%arg32 : memref<512x16xf32, #tpu.memory_space<vmem>>) dst(%dma_wait3A_381 : memref<512x16xf32, #tpu.memory_space<hbm>>)
      tpu.yield
    }) : () -> ()
    %dma_wait3A = arith.constant 0 : i32
    %dma_wait3A_25 = arith.constant 0 : i32
    %dma_wait3A_26 = tpu.memref_slice %arg30[%dma_wait3A, %dma_wait3A_25] : memref<26x512xi32, #tpu.memory_space<vmem>> -> memref<1x512xi32, #tpu.memory_space<vmem>>
    %dma_wait3A_27 = tpu.memref_squeeze %dma_wait3A_26 : memref<1x512xi32, #tpu.memory_space<vmem>> -> memref<512xi32, #tpu.memory_space<vmem>>
    %dma_wait3A_28 = arith.constant 0 : i32
    %dma_wait3A_29 = arith.constant 0 : i32
    %dma_wait3A_30 = tpu.memref_slice %arg3[%dma_wait3A_28, %dma_wait3A_29] : memref<100000x16xf32, #tpu.memory_space<hbm>> -> memref<100000x16xf32, #tpu.memory_space<hbm>>
    tpu.wait_indirect_dma semaphore(%arg35 : memref<!tpu.dma_semaphore, #tpu.memory_space<semaphore_mem>>) src(%dma_wait3A_30 : memref<100000x16xf32, #tpu.memory_space<hbm>>) dst(%arg33 : memref<512x16xf32, #tpu.memory_space<vmem>>)
    "tpu.region"() ({
      %run_scoped3A = tpu.sem_alloc : memref<!tpu.dma_semaphore, #tpu.memory_space<semaphore_mem>>
      %dma_start3A_374 = arith.constant 16 : i32
      %dma_start3A_375 = tpu.memref_slice %arg29[%multiple_of3A, %dma_start3A_374] : memref<16384x432xf32, #tpu.memory_space<hbm>> -> memref<512x16xf32, #tpu.memory_space<hbm>>
      %dma_start3A_376 = arith.constant 16 : i32
      %dma_start3A_377 = tpu.memref_slice %arg29[%multiple_of3A, %dma_start3A_376] : memref<16384x432xf32, #tpu.memory_space<hbm>> -> memref<512x16xf32, #tpu.memory_space<hbm>>
      tpu.enqueue_dma source(%arg33 : memref<512x16xf32, #tpu.memory_space<vmem>>) target(%dma_start3A_377 : memref<512x16xf32, #tpu.memory_space<hbm>>) target_semaphore(%run_scoped3A : memref<!tpu.dma_semaphore, #tpu.memory_space<semaphore_mem>>)
      %dma_wait3A_378 = arith.constant 16 : i32
      %dma_wait3A_379 = tpu.memref_slice %arg29[%multiple_of3A, %dma_wait3A_378] : memref<16384x432xf32, #tpu.memory_space<hbm>> -> memref<512x16xf32, #tpu.memory_space<hbm>>
      %dma_wait3A_380 = arith.constant 16 : i32
      %dma_wait3A_381 = tpu.memref_slice %arg29[%multiple_of3A, %dma_wait3A_380] : memref<16384x432xf32, #tpu.memory_space<hbm>> -> memref<512x16xf32, #tpu.memory_space<hbm>>
      tpu.wait_dma2 semaphore(%run_scoped3A : memref<!tpu.dma_semaphore, #tpu.memory_space<semaphore_mem>>) src(%arg33 : memref<512x16xf32, #tpu.memory_space<vmem>>) dst(%dma_wait3A_381 : memref<512x16xf32, #tpu.memory_space<hbm>>)
      tpu.yield
    }) : () -> ()
    %dma_start3A_31 = arith.constant 2 : i32
    %dma_start3A_32 = arith.constant 0 : i32
    %dma_start3A_33 = tpu.memref_slice %arg30[%dma_start3A_31, %dma_start3A_32] : memref<26x512xi32, #tpu.memory_space<vmem>> -> memref<1x512xi32, #tpu.memory_space<vmem>>
    %dma_start3A_34 = tpu.memref_squeeze %dma_start3A_33 : memref<1x512xi32, #tpu.memory_space<vmem>> -> memref<512xi32, #tpu.memory_space<vmem>>
    %dma_start3A_35 = arith.constant 0 : i32
    %dma_start3A_36 = arith.constant 0 : i32
    %dma_start3A_37 = tpu.memref_slice %arg5[%dma_start3A_35, %dma_start3A_36] : memref<100000x16xf32, #tpu.memory_space<hbm>> -> memref<100000x16xf32, #tpu.memory_space<hbm>>
    tpu.enqueue_indirect_dma source(%dma_start3A_37 : memref<100000x16xf32, #tpu.memory_space<hbm>>) target(%arg33 : memref<512x16xf32, #tpu.memory_space<vmem>>) offsets(%dma_start3A_34 : memref<512xi32, #tpu.memory_space<vmem>>) semaphore(%arg35 : memref<!tpu.dma_semaphore, #tpu.memory_space<semaphore_mem>>)
    %dma_wait3A_38 = arith.constant 1 : i32
    %dma_wait3A_39 = arith.constant 0 : i32
    %dma_wait3A_40 = tpu.memref_slice %arg30[%dma_wait3A_38, %dma_wait3A_39] : memref<26x512xi32, #tpu.memory_space<vmem>> -> memref<1x512xi32, #tpu.memory_space<vmem>>
    %dma_wait3A_41 = tpu.memref_squeeze %dma_wait3A_40 : memref<1x512xi32, #tpu.memory_space<vmem>> -> memref<512xi32, #tpu.memory_space<vmem>>
    %dma_wait3A_42 = arith.constant 0 : i32
    %dma_wait3A_43 = arith.constant 0 : i32
    %dma_wait3A_44 = tpu.memref_slice %arg4[%dma_wait3A_42, %dma_wait3A_43] : memref<100000x16xf32, #tpu.memory_space<hbm>> -> memref<100000x16xf32, #tpu.memory_space<hbm>>
    tpu.wait_indirect_dma semaphore(%arg36 : memref<!tpu.dma_semaphore, #tpu.memory_space<semaphore_mem>>) src(%dma_wait3A_44 : memref<100000x16xf32, #tpu.memory_space<hbm>>) dst(%arg34 : memref<512x16xf32, #tpu.memory_space<vmem>>)
    "tpu.region"() ({
      %run_scoped3A = tpu.sem_alloc : memref<!tpu.dma_semaphore, #tpu.memory_space<semaphore_mem>>
      %dma_start3A_374 = arith.constant 32 : i32
      %dma_start3A_375 = tpu.memref_slice %arg29[%multiple_of3A, %dma_start3A_374] : memref<16384x432xf32, #tpu.memory_space<hbm>> -> memref<512x16xf32, #tpu.memory_space<hbm>>
      %dma_start3A_376 = arith.constant 32 : i32
      %dma_start3A_377 = tpu.memref_slice %arg29[%multiple_of3A, %dma_start3A_376] : memref<16384x432xf32, #tpu.memory_space<hbm>> -> memref<512x16xf32, #tpu.memory_space<hbm>>
      tpu.enqueue_dma source(%arg34 : memref<512x16xf32, #tpu.memory_space<vmem>>) target(%dma_start3A_377 : memref<512x16xf32, #tpu.memory_space<hbm>>) target_semaphore(%run_scoped3A : memref<!tpu.dma_semaphore, #tpu.memory_space<semaphore_mem>>)
      %dma_wait3A_378 = arith.constant 32 : i32
      %dma_wait3A_379 = tpu.memref_slice %arg29[%multiple_of3A, %dma_wait3A_378] : memref<16384x432xf32, #tpu.memory_space<hbm>> -> memref<512x16xf32, #tpu.memory_space<hbm>>
      %dma_wait3A_380 = arith.constant 32 : i32
      %dma_wait3A_381 = tpu.memref_slice %arg29[%multiple_of3A, %dma_wait3A_380] : memref<16384x432xf32, #tpu.memory_space<hbm>> -> memref<512x16xf32, #tpu.memory_space<hbm>>
      tpu.wait_dma2 semaphore(%run_scoped3A : memref<!tpu.dma_semaphore, #tpu.memory_space<semaphore_mem>>) src(%arg34 : memref<512x16xf32, #tpu.memory_space<vmem>>) dst(%dma_wait3A_381 : memref<512x16xf32, #tpu.memory_space<hbm>>)
      tpu.yield
    }) : () -> ()
    %dma_start3A_45 = arith.constant 3 : i32
    %dma_start3A_46 = arith.constant 0 : i32
    %dma_start3A_47 = tpu.memref_slice %arg30[%dma_start3A_45, %dma_start3A_46] : memref<26x512xi32, #tpu.memory_space<vmem>> -> memref<1x512xi32, #tpu.memory_space<vmem>>
    %dma_start3A_48 = tpu.memref_squeeze %dma_start3A_47 : memref<1x512xi32, #tpu.memory_space<vmem>> -> memref<512xi32, #tpu.memory_space<vmem>>
    %dma_start3A_49 = arith.constant 0 : i32
    %dma_start3A_50 = arith.constant 0 : i32
    %dma_start3A_51 = tpu.memref_slice %arg6[%dma_start3A_49, %dma_start3A_50] : memref<100000x16xf32, #tpu.memory_space<hbm>> -> memref<100000x16xf32, #tpu.memory_space<hbm>>
    tpu.enqueue_indirect_dma source(%dma_start3A_51 : memref<100000x16xf32, #tpu.memory_space<hbm>>) target(%arg34 : memref<512x16xf32, #tpu.memory_space<vmem>>) offsets(%dma_start3A_48 : memref<512xi32, #tpu.memory_space<vmem>>) semaphore(%arg36 : memref<!tpu.dma_semaphore, #tpu.memory_space<semaphore_mem>>)
    %dma_wait3A_52 = arith.constant 2 : i32
    %dma_wait3A_53 = arith.constant 0 : i32
    %dma_wait3A_54 = tpu.memref_slice %arg30[%dma_wait3A_52, %dma_wait3A_53] : memref<26x512xi32, #tpu.memory_space<vmem>> -> memref<1x512xi32, #tpu.memory_space<vmem>>
    %dma_wait3A_55 = tpu.memref_squeeze %dma_wait3A_54 : memref<1x512xi32, #tpu.memory_space<vmem>> -> memref<512xi32, #tpu.memory_space<vmem>>
    %dma_wait3A_56 = arith.constant 0 : i32
    %dma_wait3A_57 = arith.constant 0 : i32
    %dma_wait3A_58 = tpu.memref_slice %arg5[%dma_wait3A_56, %dma_wait3A_57] : memref<100000x16xf32, #tpu.memory_space<hbm>> -> memref<100000x16xf32, #tpu.memory_space<hbm>>
    tpu.wait_indirect_dma semaphore(%arg35 : memref<!tpu.dma_semaphore, #tpu.memory_space<semaphore_mem>>) src(%dma_wait3A_58 : memref<100000x16xf32, #tpu.memory_space<hbm>>) dst(%arg33 : memref<512x16xf32, #tpu.memory_space<vmem>>)
    "tpu.region"() ({
      %run_scoped3A = tpu.sem_alloc : memref<!tpu.dma_semaphore, #tpu.memory_space<semaphore_mem>>
      %dma_start3A_374 = arith.constant 48 : i32
      %dma_start3A_375 = tpu.memref_slice %arg29[%multiple_of3A, %dma_start3A_374] : memref<16384x432xf32, #tpu.memory_space<hbm>> -> memref<512x16xf32, #tpu.memory_space<hbm>>
      %dma_start3A_376 = arith.constant 48 : i32
      %dma_start3A_377 = tpu.memref_slice %arg29[%multiple_of3A, %dma_start3A_376] : memref<16384x432xf32, #tpu.memory_space<hbm>> -> memref<512x16xf32, #tpu.memory_space<hbm>>
      tpu.enqueue_dma source(%arg33 : memref<512x16xf32, #tpu.memory_space<vmem>>) target(%dma_start3A_377 : memref<512x16xf32, #tpu.memory_space<hbm>>) target_semaphore(%run_scoped3A : memref<!tpu.dma_semaphore, #tpu.memory_space<semaphore_mem>>)
      %dma_wait3A_378 = arith.constant 48 : i32
      %dma_wait3A_379 = tpu.memref_slice %arg29[%multiple_of3A, %dma_wait3A_378] : memref<16384x432xf32, #tpu.memory_space<hbm>> -> memref<512x16xf32, #tpu.memory_space<hbm>>
      %dma_wait3A_380 = arith.constant 48 : i32
      %dma_wait3A_381 = tpu.memref_slice %arg29[%multiple_of3A, %dma_wait3A_380] : memref<16384x432xf32, #tpu.memory_space<hbm>> -> memref<512x16xf32, #tpu.memory_space<hbm>>
      tpu.wait_dma2 semaphore(%run_scoped3A : memref<!tpu.dma_semaphore, #tpu.memory_space<semaphore_mem>>) src(%arg33 : memref<512x16xf32, #tpu.memory_space<vmem>>) dst(%dma_wait3A_381 : memref<512x16xf32, #tpu.memory_space<hbm>>)
      tpu.yield
    }) : () -> ()
    %dma_start3A_59 = arith.constant 4 : i32
    %dma_start3A_60 = arith.constant 0 : i32
    %dma_start3A_61 = tpu.memref_slice %arg30[%dma_start3A_59, %dma_start3A_60] : memref<26x512xi32, #tpu.memory_space<vmem>> -> memref<1x512xi32, #tpu.memory_space<vmem>>
    %dma_start3A_62 = tpu.memref_squeeze %dma_start3A_61 : memref<1x512xi32, #tpu.memory_space<vmem>> -> memref<512xi32, #tpu.memory_space<vmem>>
    %dma_start3A_63 = arith.constant 0 : i32
    %dma_start3A_64 = arith.constant 0 : i32
    %dma_start3A_65 = tpu.memref_slice %arg7[%dma_start3A_63, %dma_start3A_64] : memref<100000x16xf32, #tpu.memory_space<hbm>> -> memref<100000x16xf32, #tpu.memory_space<hbm>>
    tpu.enqueue_indirect_dma source(%dma_start3A_65 : memref<100000x16xf32, #tpu.memory_space<hbm>>) target(%arg33 : memref<512x16xf32, #tpu.memory_space<vmem>>) offsets(%dma_start3A_62 : memref<512xi32, #tpu.memory_space<vmem>>) semaphore(%arg35 : memref<!tpu.dma_semaphore, #tpu.memory_space<semaphore_mem>>)
    %dma_wait3A_66 = arith.constant 3 : i32
    %dma_wait3A_67 = arith.constant 0 : i32
    %dma_wait3A_68 = tpu.memref_slice %arg30[%dma_wait3A_66, %dma_wait3A_67] : memref<26x512xi32, #tpu.memory_space<vmem>> -> memref<1x512xi32, #tpu.memory_space<vmem>>
    %dma_wait3A_69 = tpu.memref_squeeze %dma_wait3A_68 : memref<1x512xi32, #tpu.memory_space<vmem>> -> memref<512xi32, #tpu.memory_space<vmem>>
    %dma_wait3A_70 = arith.constant 0 : i32
    %dma_wait3A_71 = arith.constant 0 : i32
    %dma_wait3A_72 = tpu.memref_slice %arg6[%dma_wait3A_70, %dma_wait3A_71] : memref<100000x16xf32, #tpu.memory_space<hbm>> -> memref<100000x16xf32, #tpu.memory_space<hbm>>
    tpu.wait_indirect_dma semaphore(%arg36 : memref<!tpu.dma_semaphore, #tpu.memory_space<semaphore_mem>>) src(%dma_wait3A_72 : memref<100000x16xf32, #tpu.memory_space<hbm>>) dst(%arg34 : memref<512x16xf32, #tpu.memory_space<vmem>>)
    "tpu.region"() ({
      %run_scoped3A = tpu.sem_alloc : memref<!tpu.dma_semaphore, #tpu.memory_space<semaphore_mem>>
      %dma_start3A_374 = arith.constant 64 : i32
      %dma_start3A_375 = tpu.memref_slice %arg29[%multiple_of3A, %dma_start3A_374] : memref<16384x432xf32, #tpu.memory_space<hbm>> -> memref<512x16xf32, #tpu.memory_space<hbm>>
      %dma_start3A_376 = arith.constant 64 : i32
      %dma_start3A_377 = tpu.memref_slice %arg29[%multiple_of3A, %dma_start3A_376] : memref<16384x432xf32, #tpu.memory_space<hbm>> -> memref<512x16xf32, #tpu.memory_space<hbm>>
      tpu.enqueue_dma source(%arg34 : memref<512x16xf32, #tpu.memory_space<vmem>>) target(%dma_start3A_377 : memref<512x16xf32, #tpu.memory_space<hbm>>) target_semaphore(%run_scoped3A : memref<!tpu.dma_semaphore, #tpu.memory_space<semaphore_mem>>)
      %dma_wait3A_378 = arith.constant 64 : i32
      %dma_wait3A_379 = tpu.memref_slice %arg29[%multiple_of3A, %dma_wait3A_378] : memref<16384x432xf32, #tpu.memory_space<hbm>> -> memref<512x16xf32, #tpu.memory_space<hbm>>
      %dma_wait3A_380 = arith.constant 64 : i32
      %dma_wait3A_381 = tpu.memref_slice %arg29[%multiple_of3A, %dma_wait3A_380] : memref<16384x432xf32, #tpu.memory_space<hbm>> -> memref<512x16xf32, #tpu.memory_space<hbm>>
      tpu.wait_dma2 semaphore(%run_scoped3A : memref<!tpu.dma_semaphore, #tpu.memory_space<semaphore_mem>>) src(%arg34 : memref<512x16xf32, #tpu.memory_space<vmem>>) dst(%dma_wait3A_381 : memref<512x16xf32, #tpu.memory_space<hbm>>)
      tpu.yield
    }) : () -> ()
    %dma_start3A_73 = arith.constant 5 : i32
    %dma_start3A_74 = arith.constant 0 : i32
    %dma_start3A_75 = tpu.memref_slice %arg30[%dma_start3A_73, %dma_start3A_74] : memref<26x512xi32, #tpu.memory_space<vmem>> -> memref<1x512xi32, #tpu.memory_space<vmem>>
    %dma_start3A_76 = tpu.memref_squeeze %dma_start3A_75 : memref<1x512xi32, #tpu.memory_space<vmem>> -> memref<512xi32, #tpu.memory_space<vmem>>
    %dma_start3A_77 = arith.constant 0 : i32
    %dma_start3A_78 = arith.constant 0 : i32
    %dma_start3A_79 = tpu.memref_slice %arg8[%dma_start3A_77, %dma_start3A_78] : memref<100000x16xf32, #tpu.memory_space<hbm>> -> memref<100000x16xf32, #tpu.memory_space<hbm>>
    tpu.enqueue_indirect_dma source(%dma_start3A_79 : memref<100000x16xf32, #tpu.memory_space<hbm>>) target(%arg34 : memref<512x16xf32, #tpu.memory_space<vmem>>) offsets(%dma_start3A_76 : memref<512xi32, #tpu.memory_space<vmem>>) semaphore(%arg36 : memref<!tpu.dma_semaphore, #tpu.memory_space<semaphore_mem>>)
    %dma_wait3A_80 = arith.constant 4 : i32
    %dma_wait3A_81 = arith.constant 0 : i32
    %dma_wait3A_82 = tpu.memref_slice %arg30[%dma_wait3A_80, %dma_wait3A_81] : memref<26x512xi32, #tpu.memory_space<vmem>> -> memref<1x512xi32, #tpu.memory_space<vmem>>
    %dma_wait3A_83 = tpu.memref_squeeze %dma_wait3A_82 : memref<1x512xi32, #tpu.memory_space<vmem>> -> memref<512xi32, #tpu.memory_space<vmem>>
    %dma_wait3A_84 = arith.constant 0 : i32
    %dma_wait3A_85 = arith.constant 0 : i32
    %dma_wait3A_86 = tpu.memref_slice %arg7[%dma_wait3A_84, %dma_wait3A_85] : memref<100000x16xf32, #tpu.memory_space<hbm>> -> memref<100000x16xf32, #tpu.memory_space<hbm>>
    tpu.wait_indirect_dma semaphore(%arg35 : memref<!tpu.dma_semaphore, #tpu.memory_space<semaphore_mem>>) src(%dma_wait3A_86 : memref<100000x16xf32, #tpu.memory_space<hbm>>) dst(%arg33 : memref<512x16xf32, #tpu.memory_space<vmem>>)
    "tpu.region"() ({
      %run_scoped3A = tpu.sem_alloc : memref<!tpu.dma_semaphore, #tpu.memory_space<semaphore_mem>>
      %dma_start3A_374 = arith.constant 80 : i32
      %dma_start3A_375 = tpu.memref_slice %arg29[%multiple_of3A, %dma_start3A_374] : memref<16384x432xf32, #tpu.memory_space<hbm>> -> memref<512x16xf32, #tpu.memory_space<hbm>>
      %dma_start3A_376 = arith.constant 80 : i32
      %dma_start3A_377 = tpu.memref_slice %arg29[%multiple_of3A, %dma_start3A_376] : memref<16384x432xf32, #tpu.memory_space<hbm>> -> memref<512x16xf32, #tpu.memory_space<hbm>>
      tpu.enqueue_dma source(%arg33 : memref<512x16xf32, #tpu.memory_space<vmem>>) target(%dma_start3A_377 : memref<512x16xf32, #tpu.memory_space<hbm>>) target_semaphore(%run_scoped3A : memref<!tpu.dma_semaphore, #tpu.memory_space<semaphore_mem>>)
      %dma_wait3A_378 = arith.constant 80 : i32
      %dma_wait3A_379 = tpu.memref_slice %arg29[%multiple_of3A, %dma_wait3A_378] : memref<16384x432xf32, #tpu.memory_space<hbm>> -> memref<512x16xf32, #tpu.memory_space<hbm>>
      %dma_wait3A_380 = arith.constant 80 : i32
      %dma_wait3A_381 = tpu.memref_slice %arg29[%multiple_of3A, %dma_wait3A_380] : memref<16384x432xf32, #tpu.memory_space<hbm>> -> memref<512x16xf32, #tpu.memory_space<hbm>>
      tpu.wait_dma2 semaphore(%run_scoped3A : memref<!tpu.dma_semaphore, #tpu.memory_space<semaphore_mem>>) src(%arg33 : memref<512x16xf32, #tpu.memory_space<vmem>>) dst(%dma_wait3A_381 : memref<512x16xf32, #tpu.memory_space<hbm>>)
      tpu.yield
    }) : () -> ()
    %dma_start3A_87 = arith.constant 6 : i32
    %dma_start3A_88 = arith.constant 0 : i32
    %dma_start3A_89 = tpu.memref_slice %arg30[%dma_start3A_87, %dma_start3A_88] : memref<26x512xi32, #tpu.memory_space<vmem>> -> memref<1x512xi32, #tpu.memory_space<vmem>>
    %dma_start3A_90 = tpu.memref_squeeze %dma_start3A_89 : memref<1x512xi32, #tpu.memory_space<vmem>> -> memref<512xi32, #tpu.memory_space<vmem>>
    %dma_start3A_91 = arith.constant 0 : i32
    %dma_start3A_92 = arith.constant 0 : i32
    %dma_start3A_93 = tpu.memref_slice %arg9[%dma_start3A_91, %dma_start3A_92] : memref<100000x16xf32, #tpu.memory_space<hbm>> -> memref<100000x16xf32, #tpu.memory_space<hbm>>
    tpu.enqueue_indirect_dma source(%dma_start3A_93 : memref<100000x16xf32, #tpu.memory_space<hbm>>) target(%arg33 : memref<512x16xf32, #tpu.memory_space<vmem>>) offsets(%dma_start3A_90 : memref<512xi32, #tpu.memory_space<vmem>>) semaphore(%arg35 : memref<!tpu.dma_semaphore, #tpu.memory_space<semaphore_mem>>)
    %dma_wait3A_94 = arith.constant 5 : i32
    %dma_wait3A_95 = arith.constant 0 : i32
    %dma_wait3A_96 = tpu.memref_slice %arg30[%dma_wait3A_94, %dma_wait3A_95] : memref<26x512xi32, #tpu.memory_space<vmem>> -> memref<1x512xi32, #tpu.memory_space<vmem>>
    %dma_wait3A_97 = tpu.memref_squeeze %dma_wait3A_96 : memref<1x512xi32, #tpu.memory_space<vmem>> -> memref<512xi32, #tpu.memory_space<vmem>>
    %dma_wait3A_98 = arith.constant 0 : i32
    %dma_wait3A_99 = arith.constant 0 : i32
    %dma_wait3A_100 = tpu.memref_slice %arg8[%dma_wait3A_98, %dma_wait3A_99] : memref<100000x16xf32, #tpu.memory_space<hbm>> -> memref<100000x16xf32, #tpu.memory_space<hbm>>
    tpu.wait_indirect_dma semaphore(%arg36 : memref<!tpu.dma_semaphore, #tpu.memory_space<semaphore_mem>>) src(%dma_wait3A_100 : memref<100000x16xf32, #tpu.memory_space<hbm>>) dst(%arg34 : memref<512x16xf32, #tpu.memory_space<vmem>>)
    "tpu.region"() ({
      %run_scoped3A = tpu.sem_alloc : memref<!tpu.dma_semaphore, #tpu.memory_space<semaphore_mem>>
      %dma_start3A_374 = arith.constant 96 : i32
      %dma_start3A_375 = tpu.memref_slice %arg29[%multiple_of3A, %dma_start3A_374] : memref<16384x432xf32, #tpu.memory_space<hbm>> -> memref<512x16xf32, #tpu.memory_space<hbm>>
      %dma_start3A_376 = arith.constant 96 : i32
      %dma_start3A_377 = tpu.memref_slice %arg29[%multiple_of3A, %dma_start3A_376] : memref<16384x432xf32, #tpu.memory_space<hbm>> -> memref<512x16xf32, #tpu.memory_space<hbm>>
      tpu.enqueue_dma source(%arg34 : memref<512x16xf32, #tpu.memory_space<vmem>>) target(%dma_start3A_377 : memref<512x16xf32, #tpu.memory_space<hbm>>) target_semaphore(%run_scoped3A : memref<!tpu.dma_semaphore, #tpu.memory_space<semaphore_mem>>)
      %dma_wait3A_378 = arith.constant 96 : i32
      %dma_wait3A_379 = tpu.memref_slice %arg29[%multiple_of3A, %dma_wait3A_378] : memref<16384x432xf32, #tpu.memory_space<hbm>> -> memref<512x16xf32, #tpu.memory_space<hbm>>
      %dma_wait3A_380 = arith.constant 96 : i32
      %dma_wait3A_381 = tpu.memref_slice %arg29[%multiple_of3A, %dma_wait3A_380] : memref<16384x432xf32, #tpu.memory_space<hbm>> -> memref<512x16xf32, #tpu.memory_space<hbm>>
      tpu.wait_dma2 semaphore(%run_scoped3A : memref<!tpu.dma_semaphore, #tpu.memory_space<semaphore_mem>>) src(%arg34 : memref<512x16xf32, #tpu.memory_space<vmem>>) dst(%dma_wait3A_381 : memref<512x16xf32, #tpu.memory_space<hbm>>)
      tpu.yield
    }) : () -> ()
    %dma_start3A_101 = arith.constant 7 : i32
    %dma_start3A_102 = arith.constant 0 : i32
    %dma_start3A_103 = tpu.memref_slice %arg30[%dma_start3A_101, %dma_start3A_102] : memref<26x512xi32, #tpu.memory_space<vmem>> -> memref<1x512xi32, #tpu.memory_space<vmem>>
    %dma_start3A_104 = tpu.memref_squeeze %dma_start3A_103 : memref<1x512xi32, #tpu.memory_space<vmem>> -> memref<512xi32, #tpu.memory_space<vmem>>
    %dma_start3A_105 = arith.constant 0 : i32
    %dma_start3A_106 = arith.constant 0 : i32
    %dma_start3A_107 = tpu.memref_slice %arg10[%dma_start3A_105, %dma_start3A_106] : memref<100000x16xf32, #tpu.memory_space<hbm>> -> memref<100000x16xf32, #tpu.memory_space<hbm>>
    tpu.enqueue_indirect_dma source(%dma_start3A_107 : memref<100000x16xf32, #tpu.memory_space<hbm>>) target(%arg34 : memref<512x16xf32, #tpu.memory_space<vmem>>) offsets(%dma_start3A_104 : memref<512xi32, #tpu.memory_space<vmem>>) semaphore(%arg36 : memref<!tpu.dma_semaphore, #tpu.memory_space<semaphore_mem>>)
    %dma_wait3A_108 = arith.constant 6 : i32
    %dma_wait3A_109 = arith.constant 0 : i32
    %dma_wait3A_110 = tpu.memref_slice %arg30[%dma_wait3A_108, %dma_wait3A_109] : memref<26x512xi32, #tpu.memory_space<vmem>> -> memref<1x512xi32, #tpu.memory_space<vmem>>
    %dma_wait3A_111 = tpu.memref_squeeze %dma_wait3A_110 : memref<1x512xi32, #tpu.memory_space<vmem>> -> memref<512xi32, #tpu.memory_space<vmem>>
    %dma_wait3A_112 = arith.constant 0 : i32
    %dma_wait3A_113 = arith.constant 0 : i32
    %dma_wait3A_114 = tpu.memref_slice %arg9[%dma_wait3A_112, %dma_wait3A_113] : memref<100000x16xf32, #tpu.memory_space<hbm>> -> memref<100000x16xf32, #tpu.memory_space<hbm>>
    tpu.wait_indirect_dma semaphore(%arg35 : memref<!tpu.dma_semaphore, #tpu.memory_space<semaphore_mem>>) src(%dma_wait3A_114 : memref<100000x16xf32, #tpu.memory_space<hbm>>) dst(%arg33 : memref<512x16xf32, #tpu.memory_space<vmem>>)
    "tpu.region"() ({
      %run_scoped3A = tpu.sem_alloc : memref<!tpu.dma_semaphore, #tpu.memory_space<semaphore_mem>>
      %dma_start3A_374 = arith.constant 112 : i32
      %dma_start3A_375 = tpu.memref_slice %arg29[%multiple_of3A, %dma_start3A_374] : memref<16384x432xf32, #tpu.memory_space<hbm>> -> memref<512x16xf32, #tpu.memory_space<hbm>>
      %dma_start3A_376 = arith.constant 112 : i32
      %dma_start3A_377 = tpu.memref_slice %arg29[%multiple_of3A, %dma_start3A_376] : memref<16384x432xf32, #tpu.memory_space<hbm>> -> memref<512x16xf32, #tpu.memory_space<hbm>>
      tpu.enqueue_dma source(%arg33 : memref<512x16xf32, #tpu.memory_space<vmem>>) target(%dma_start3A_377 : memref<512x16xf32, #tpu.memory_space<hbm>>) target_semaphore(%run_scoped3A : memref<!tpu.dma_semaphore, #tpu.memory_space<semaphore_mem>>)
      %dma_wait3A_378 = arith.constant 112 : i32
      %dma_wait3A_379 = tpu.memref_slice %arg29[%multiple_of3A, %dma_wait3A_378] : memref<16384x432xf32, #tpu.memory_space<hbm>> -> memref<512x16xf32, #tpu.memory_space<hbm>>
      %dma_wait3A_380 = arith.constant 112 : i32
      %dma_wait3A_381 = tpu.memref_slice %arg29[%multiple_of3A, %dma_wait3A_380] : memref<16384x432xf32, #tpu.memory_space<hbm>> -> memref<512x16xf32, #tpu.memory_space<hbm>>
      tpu.wait_dma2 semaphore(%run_scoped3A : memref<!tpu.dma_semaphore, #tpu.memory_space<semaphore_mem>>) src(%arg33 : memref<512x16xf32, #tpu.memory_space<vmem>>) dst(%dma_wait3A_381 : memref<512x16xf32, #tpu.memory_space<hbm>>)
      tpu.yield
    }) : () -> ()
    %dma_start3A_115 = arith.constant 8 : i32
    %dma_start3A_116 = arith.constant 0 : i32
    %dma_start3A_117 = tpu.memref_slice %arg30[%dma_start3A_115, %dma_start3A_116] : memref<26x512xi32, #tpu.memory_space<vmem>> -> memref<1x512xi32, #tpu.memory_space<vmem>>
    %dma_start3A_118 = tpu.memref_squeeze %dma_start3A_117 : memref<1x512xi32, #tpu.memory_space<vmem>> -> memref<512xi32, #tpu.memory_space<vmem>>
    %dma_start3A_119 = arith.constant 0 : i32
    %dma_start3A_120 = arith.constant 0 : i32
    %dma_start3A_121 = tpu.memref_slice %arg11[%dma_start3A_119, %dma_start3A_120] : memref<100000x16xf32, #tpu.memory_space<hbm>> -> memref<100000x16xf32, #tpu.memory_space<hbm>>
    tpu.enqueue_indirect_dma source(%dma_start3A_121 : memref<100000x16xf32, #tpu.memory_space<hbm>>) target(%arg33 : memref<512x16xf32, #tpu.memory_space<vmem>>) offsets(%dma_start3A_118 : memref<512xi32, #tpu.memory_space<vmem>>) semaphore(%arg35 : memref<!tpu.dma_semaphore, #tpu.memory_space<semaphore_mem>>)
    %dma_wait3A_122 = arith.constant 7 : i32
    %dma_wait3A_123 = arith.constant 0 : i32
    %dma_wait3A_124 = tpu.memref_slice %arg30[%dma_wait3A_122, %dma_wait3A_123] : memref<26x512xi32, #tpu.memory_space<vmem>> -> memref<1x512xi32, #tpu.memory_space<vmem>>
    %dma_wait3A_125 = tpu.memref_squeeze %dma_wait3A_124 : memref<1x512xi32, #tpu.memory_space<vmem>> -> memref<512xi32, #tpu.memory_space<vmem>>
    %dma_wait3A_126 = arith.constant 0 : i32
    %dma_wait3A_127 = arith.constant 0 : i32
    %dma_wait3A_128 = tpu.memref_slice %arg10[%dma_wait3A_126, %dma_wait3A_127] : memref<100000x16xf32, #tpu.memory_space<hbm>> -> memref<100000x16xf32, #tpu.memory_space<hbm>>
    tpu.wait_indirect_dma semaphore(%arg36 : memref<!tpu.dma_semaphore, #tpu.memory_space<semaphore_mem>>) src(%dma_wait3A_128 : memref<100000x16xf32, #tpu.memory_space<hbm>>) dst(%arg34 : memref<512x16xf32, #tpu.memory_space<vmem>>)
    "tpu.region"() ({
      %run_scoped3A = tpu.sem_alloc : memref<!tpu.dma_semaphore, #tpu.memory_space<semaphore_mem>>
      %dma_start3A_374 = arith.constant 128 : i32
      %dma_start3A_375 = tpu.memref_slice %arg29[%multiple_of3A, %dma_start3A_374] : memref<16384x432xf32, #tpu.memory_space<hbm>> -> memref<512x16xf32, #tpu.memory_space<hbm>>
      %dma_start3A_376 = arith.constant 128 : i32
      %dma_start3A_377 = tpu.memref_slice %arg29[%multiple_of3A, %dma_start3A_376] : memref<16384x432xf32, #tpu.memory_space<hbm>> -> memref<512x16xf32, #tpu.memory_space<hbm>>
      tpu.enqueue_dma source(%arg34 : memref<512x16xf32, #tpu.memory_space<vmem>>) target(%dma_start3A_377 : memref<512x16xf32, #tpu.memory_space<hbm>>) target_semaphore(%run_scoped3A : memref<!tpu.dma_semaphore, #tpu.memory_space<semaphore_mem>>)
      %dma_wait3A_378 = arith.constant 128 : i32
      %dma_wait3A_379 = tpu.memref_slice %arg29[%multiple_of3A, %dma_wait3A_378] : memref<16384x432xf32, #tpu.memory_space<hbm>> -> memref<512x16xf32, #tpu.memory_space<hbm>>
      %dma_wait3A_380 = arith.constant 128 : i32
      %dma_wait3A_381 = tpu.memref_slice %arg29[%multiple_of3A, %dma_wait3A_380] : memref<16384x432xf32, #tpu.memory_space<hbm>> -> memref<512x16xf32, #tpu.memory_space<hbm>>
      tpu.wait_dma2 semaphore(%run_scoped3A : memref<!tpu.dma_semaphore, #tpu.memory_space<semaphore_mem>>) src(%arg34 : memref<512x16xf32, #tpu.memory_space<vmem>>) dst(%dma_wait3A_381 : memref<512x16xf32, #tpu.memory_space<hbm>>)
      tpu.yield
    }) : () -> ()
    %dma_start3A_129 = arith.constant 9 : i32
    %dma_start3A_130 = arith.constant 0 : i32
    %dma_start3A_131 = tpu.memref_slice %arg30[%dma_start3A_129, %dma_start3A_130] : memref<26x512xi32, #tpu.memory_space<vmem>> -> memref<1x512xi32, #tpu.memory_space<vmem>>
    %dma_start3A_132 = tpu.memref_squeeze %dma_start3A_131 : memref<1x512xi32, #tpu.memory_space<vmem>> -> memref<512xi32, #tpu.memory_space<vmem>>
    %dma_start3A_133 = arith.constant 0 : i32
    %dma_start3A_134 = arith.constant 0 : i32
    %dma_start3A_135 = tpu.memref_slice %arg12[%dma_start3A_133, %dma_start3A_134] : memref<100000x16xf32, #tpu.memory_space<hbm>> -> memref<100000x16xf32, #tpu.memory_space<hbm>>
    tpu.enqueue_indirect_dma source(%dma_start3A_135 : memref<100000x16xf32, #tpu.memory_space<hbm>>) target(%arg34 : memref<512x16xf32, #tpu.memory_space<vmem>>) offsets(%dma_start3A_132 : memref<512xi32, #tpu.memory_space<vmem>>) semaphore(%arg36 : memref<!tpu.dma_semaphore, #tpu.memory_space<semaphore_mem>>)
    %dma_wait3A_136 = arith.constant 8 : i32
    %dma_wait3A_137 = arith.constant 0 : i32
    %dma_wait3A_138 = tpu.memref_slice %arg30[%dma_wait3A_136, %dma_wait3A_137] : memref<26x512xi32, #tpu.memory_space<vmem>> -> memref<1x512xi32, #tpu.memory_space<vmem>>
    %dma_wait3A_139 = tpu.memref_squeeze %dma_wait3A_138 : memref<1x512xi32, #tpu.memory_space<vmem>> -> memref<512xi32, #tpu.memory_space<vmem>>
    %dma_wait3A_140 = arith.constant 0 : i32
    %dma_wait3A_141 = arith.constant 0 : i32
    %dma_wait3A_142 = tpu.memref_slice %arg11[%dma_wait3A_140, %dma_wait3A_141] : memref<100000x16xf32, #tpu.memory_space<hbm>> -> memref<100000x16xf32, #tpu.memory_space<hbm>>
    tpu.wait_indirect_dma semaphore(%arg35 : memref<!tpu.dma_semaphore, #tpu.memory_space<semaphore_mem>>) src(%dma_wait3A_142 : memref<100000x16xf32, #tpu.memory_space<hbm>>) dst(%arg33 : memref<512x16xf32, #tpu.memory_space<vmem>>)
    "tpu.region"() ({
      %run_scoped3A = tpu.sem_alloc : memref<!tpu.dma_semaphore, #tpu.memory_space<semaphore_mem>>
      %dma_start3A_374 = arith.constant 144 : i32
      %dma_start3A_375 = tpu.memref_slice %arg29[%multiple_of3A, %dma_start3A_374] : memref<16384x432xf32, #tpu.memory_space<hbm>> -> memref<512x16xf32, #tpu.memory_space<hbm>>
      %dma_start3A_376 = arith.constant 144 : i32
      %dma_start3A_377 = tpu.memref_slice %arg29[%multiple_of3A, %dma_start3A_376] : memref<16384x432xf32, #tpu.memory_space<hbm>> -> memref<512x16xf32, #tpu.memory_space<hbm>>
      tpu.enqueue_dma source(%arg33 : memref<512x16xf32, #tpu.memory_space<vmem>>) target(%dma_start3A_377 : memref<512x16xf32, #tpu.memory_space<hbm>>) target_semaphore(%run_scoped3A : memref<!tpu.dma_semaphore, #tpu.memory_space<semaphore_mem>>)
      %dma_wait3A_378 = arith.constant 144 : i32
      %dma_wait3A_379 = tpu.memref_slice %arg29[%multiple_of3A, %dma_wait3A_378] : memref<16384x432xf32, #tpu.memory_space<hbm>> -> memref<512x16xf32, #tpu.memory_space<hbm>>
      %dma_wait3A_380 = arith.constant 144 : i32
      %dma_wait3A_381 = tpu.memref_slice %arg29[%multiple_of3A, %dma_wait3A_380] : memref<16384x432xf32, #tpu.memory_space<hbm>> -> memref<512x16xf32, #tpu.memory_space<hbm>>
      tpu.wait_dma2 semaphore(%run_scoped3A : memref<!tpu.dma_semaphore, #tpu.memory_space<semaphore_mem>>) src(%arg33 : memref<512x16xf32, #tpu.memory_space<vmem>>) dst(%dma_wait3A_381 : memref<512x16xf32, #tpu.memory_space<hbm>>)
      tpu.yield
    }) : () -> ()
    %dma_start3A_143 = arith.constant 10 : i32
    %dma_start3A_144 = arith.constant 0 : i32
    %dma_start3A_145 = tpu.memref_slice %arg30[%dma_start3A_143, %dma_start3A_144] : memref<26x512xi32, #tpu.memory_space<vmem>> -> memref<1x512xi32, #tpu.memory_space<vmem>>
    %dma_start3A_146 = tpu.memref_squeeze %dma_start3A_145 : memref<1x512xi32, #tpu.memory_space<vmem>> -> memref<512xi32, #tpu.memory_space<vmem>>
    %dma_start3A_147 = arith.constant 0 : i32
    %dma_start3A_148 = arith.constant 0 : i32
    %dma_start3A_149 = tpu.memref_slice %arg13[%dma_start3A_147, %dma_start3A_148] : memref<100000x16xf32, #tpu.memory_space<hbm>> -> memref<100000x16xf32, #tpu.memory_space<hbm>>
    tpu.enqueue_indirect_dma source(%dma_start3A_149 : memref<100000x16xf32, #tpu.memory_space<hbm>>) target(%arg33 : memref<512x16xf32, #tpu.memory_space<vmem>>) offsets(%dma_start3A_146 : memref<512xi32, #tpu.memory_space<vmem>>) semaphore(%arg35 : memref<!tpu.dma_semaphore, #tpu.memory_space<semaphore_mem>>)
    %dma_wait3A_150 = arith.constant 9 : i32
    %dma_wait3A_151 = arith.constant 0 : i32
    %dma_wait3A_152 = tpu.memref_slice %arg30[%dma_wait3A_150, %dma_wait3A_151] : memref<26x512xi32, #tpu.memory_space<vmem>> -> memref<1x512xi32, #tpu.memory_space<vmem>>
    %dma_wait3A_153 = tpu.memref_squeeze %dma_wait3A_152 : memref<1x512xi32, #tpu.memory_space<vmem>> -> memref<512xi32, #tpu.memory_space<vmem>>
    %dma_wait3A_154 = arith.constant 0 : i32
    %dma_wait3A_155 = arith.constant 0 : i32
    %dma_wait3A_156 = tpu.memref_slice %arg12[%dma_wait3A_154, %dma_wait3A_155] : memref<100000x16xf32, #tpu.memory_space<hbm>> -> memref<100000x16xf32, #tpu.memory_space<hbm>>
    tpu.wait_indirect_dma semaphore(%arg36 : memref<!tpu.dma_semaphore, #tpu.memory_space<semaphore_mem>>) src(%dma_wait3A_156 : memref<100000x16xf32, #tpu.memory_space<hbm>>) dst(%arg34 : memref<512x16xf32, #tpu.memory_space<vmem>>)
    "tpu.region"() ({
      %run_scoped3A = tpu.sem_alloc : memref<!tpu.dma_semaphore, #tpu.memory_space<semaphore_mem>>
      %dma_start3A_374 = arith.constant 160 : i32
      %dma_start3A_375 = tpu.memref_slice %arg29[%multiple_of3A, %dma_start3A_374] : memref<16384x432xf32, #tpu.memory_space<hbm>> -> memref<512x16xf32, #tpu.memory_space<hbm>>
      %dma_start3A_376 = arith.constant 160 : i32
      %dma_start3A_377 = tpu.memref_slice %arg29[%multiple_of3A, %dma_start3A_376] : memref<16384x432xf32, #tpu.memory_space<hbm>> -> memref<512x16xf32, #tpu.memory_space<hbm>>
      tpu.enqueue_dma source(%arg34 : memref<512x16xf32, #tpu.memory_space<vmem>>) target(%dma_start3A_377 : memref<512x16xf32, #tpu.memory_space<hbm>>) target_semaphore(%run_scoped3A : memref<!tpu.dma_semaphore, #tpu.memory_space<semaphore_mem>>)
      %dma_wait3A_378 = arith.constant 160 : i32
      %dma_wait3A_379 = tpu.memref_slice %arg29[%multiple_of3A, %dma_wait3A_378] : memref<16384x432xf32, #tpu.memory_space<hbm>> -> memref<512x16xf32, #tpu.memory_space<hbm>>
      %dma_wait3A_380 = arith.constant 160 : i32
      %dma_wait3A_381 = tpu.memref_slice %arg29[%multiple_of3A, %dma_wait3A_380] : memref<16384x432xf32, #tpu.memory_space<hbm>> -> memref<512x16xf32, #tpu.memory_space<hbm>>
      tpu.wait_dma2 semaphore(%run_scoped3A : memref<!tpu.dma_semaphore, #tpu.memory_space<semaphore_mem>>) src(%arg34 : memref<512x16xf32, #tpu.memory_space<vmem>>) dst(%dma_wait3A_381 : memref<512x16xf32, #tpu.memory_space<hbm>>)
      tpu.yield
    }) : () -> ()
    %dma_start3A_157 = arith.constant 11 : i32
    %dma_start3A_158 = arith.constant 0 : i32
    %dma_start3A_159 = tpu.memref_slice %arg30[%dma_start3A_157, %dma_start3A_158] : memref<26x512xi32, #tpu.memory_space<vmem>> -> memref<1x512xi32, #tpu.memory_space<vmem>>
    %dma_start3A_160 = tpu.memref_squeeze %dma_start3A_159 : memref<1x512xi32, #tpu.memory_space<vmem>> -> memref<512xi32, #tpu.memory_space<vmem>>
    %dma_start3A_161 = arith.constant 0 : i32
    %dma_start3A_162 = arith.constant 0 : i32
    %dma_start3A_163 = tpu.memref_slice %arg14[%dma_start3A_161, %dma_start3A_162] : memref<100000x16xf32, #tpu.memory_space<hbm>> -> memref<100000x16xf32, #tpu.memory_space<hbm>>
    tpu.enqueue_indirect_dma source(%dma_start3A_163 : memref<100000x16xf32, #tpu.memory_space<hbm>>) target(%arg34 : memref<512x16xf32, #tpu.memory_space<vmem>>) offsets(%dma_start3A_160 : memref<512xi32, #tpu.memory_space<vmem>>) semaphore(%arg36 : memref<!tpu.dma_semaphore, #tpu.memory_space<semaphore_mem>>)
    %dma_wait3A_164 = arith.constant 10 : i32
    %dma_wait3A_165 = arith.constant 0 : i32
    %dma_wait3A_166 = tpu.memref_slice %arg30[%dma_wait3A_164, %dma_wait3A_165] : memref<26x512xi32, #tpu.memory_space<vmem>> -> memref<1x512xi32, #tpu.memory_space<vmem>>
    %dma_wait3A_167 = tpu.memref_squeeze %dma_wait3A_166 : memref<1x512xi32, #tpu.memory_space<vmem>> -> memref<512xi32, #tpu.memory_space<vmem>>
    %dma_wait3A_168 = arith.constant 0 : i32
    %dma_wait3A_169 = arith.constant 0 : i32
    %dma_wait3A_170 = tpu.memref_slice %arg13[%dma_wait3A_168, %dma_wait3A_169] : memref<100000x16xf32, #tpu.memory_space<hbm>> -> memref<100000x16xf32, #tpu.memory_space<hbm>>
    tpu.wait_indirect_dma semaphore(%arg35 : memref<!tpu.dma_semaphore, #tpu.memory_space<semaphore_mem>>) src(%dma_wait3A_170 : memref<100000x16xf32, #tpu.memory_space<hbm>>) dst(%arg33 : memref<512x16xf32, #tpu.memory_space<vmem>>)
    "tpu.region"() ({
      %run_scoped3A = tpu.sem_alloc : memref<!tpu.dma_semaphore, #tpu.memory_space<semaphore_mem>>
      %dma_start3A_374 = arith.constant 176 : i32
      %dma_start3A_375 = tpu.memref_slice %arg29[%multiple_of3A, %dma_start3A_374] : memref<16384x432xf32, #tpu.memory_space<hbm>> -> memref<512x16xf32, #tpu.memory_space<hbm>>
      %dma_start3A_376 = arith.constant 176 : i32
      %dma_start3A_377 = tpu.memref_slice %arg29[%multiple_of3A, %dma_start3A_376] : memref<16384x432xf32, #tpu.memory_space<hbm>> -> memref<512x16xf32, #tpu.memory_space<hbm>>
      tpu.enqueue_dma source(%arg33 : memref<512x16xf32, #tpu.memory_space<vmem>>) target(%dma_start3A_377 : memref<512x16xf32, #tpu.memory_space<hbm>>) target_semaphore(%run_scoped3A : memref<!tpu.dma_semaphore, #tpu.memory_space<semaphore_mem>>)
      %dma_wait3A_378 = arith.constant 176 : i32
      %dma_wait3A_379 = tpu.memref_slice %arg29[%multiple_of3A, %dma_wait3A_378] : memref<16384x432xf32, #tpu.memory_space<hbm>> -> memref<512x16xf32, #tpu.memory_space<hbm>>
      %dma_wait3A_380 = arith.constant 176 : i32
      %dma_wait3A_381 = tpu.memref_slice %arg29[%multiple_of3A, %dma_wait3A_380] : memref<16384x432xf32, #tpu.memory_space<hbm>> -> memref<512x16xf32, #tpu.memory_space<hbm>>
      tpu.wait_dma2 semaphore(%run_scoped3A : memref<!tpu.dma_semaphore, #tpu.memory_space<semaphore_mem>>) src(%arg33 : memref<512x16xf32, #tpu.memory_space<vmem>>) dst(%dma_wait3A_381 : memref<512x16xf32, #tpu.memory_space<hbm>>)
      tpu.yield
    }) : () -> ()
    %dma_start3A_171 = arith.constant 12 : i32
    %dma_start3A_172 = arith.constant 0 : i32
    %dma_start3A_173 = tpu.memref_slice %arg30[%dma_start3A_171, %dma_start3A_172] : memref<26x512xi32, #tpu.memory_space<vmem>> -> memref<1x512xi32, #tpu.memory_space<vmem>>
    %dma_start3A_174 = tpu.memref_squeeze %dma_start3A_173 : memref<1x512xi32, #tpu.memory_space<vmem>> -> memref<512xi32, #tpu.memory_space<vmem>>
    %dma_start3A_175 = arith.constant 0 : i32
    %dma_start3A_176 = arith.constant 0 : i32
    %dma_start3A_177 = tpu.memref_slice %arg15[%dma_start3A_175, %dma_start3A_176] : memref<100000x16xf32, #tpu.memory_space<hbm>> -> memref<100000x16xf32, #tpu.memory_space<hbm>>
    tpu.enqueue_indirect_dma source(%dma_start3A_177 : memref<100000x16xf32, #tpu.memory_space<hbm>>) target(%arg33 : memref<512x16xf32, #tpu.memory_space<vmem>>) offsets(%dma_start3A_174 : memref<512xi32, #tpu.memory_space<vmem>>) semaphore(%arg35 : memref<!tpu.dma_semaphore, #tpu.memory_space<semaphore_mem>>)
    %dma_wait3A_178 = arith.constant 11 : i32
    %dma_wait3A_179 = arith.constant 0 : i32
    %dma_wait3A_180 = tpu.memref_slice %arg30[%dma_wait3A_178, %dma_wait3A_179] : memref<26x512xi32, #tpu.memory_space<vmem>> -> memref<1x512xi32, #tpu.memory_space<vmem>>
    %dma_wait3A_181 = tpu.memref_squeeze %dma_wait3A_180 : memref<1x512xi32, #tpu.memory_space<vmem>> -> memref<512xi32, #tpu.memory_space<vmem>>
    %dma_wait3A_182 = arith.constant 0 : i32
    %dma_wait3A_183 = arith.constant 0 : i32
    %dma_wait3A_184 = tpu.memref_slice %arg14[%dma_wait3A_182, %dma_wait3A_183] : memref<100000x16xf32, #tpu.memory_space<hbm>> -> memref<100000x16xf32, #tpu.memory_space<hbm>>
    tpu.wait_indirect_dma semaphore(%arg36 : memref<!tpu.dma_semaphore, #tpu.memory_space<semaphore_mem>>) src(%dma_wait3A_184 : memref<100000x16xf32, #tpu.memory_space<hbm>>) dst(%arg34 : memref<512x16xf32, #tpu.memory_space<vmem>>)
    "tpu.region"() ({
      %run_scoped3A = tpu.sem_alloc : memref<!tpu.dma_semaphore, #tpu.memory_space<semaphore_mem>>
      %dma_start3A_374 = arith.constant 192 : i32
      %dma_start3A_375 = tpu.memref_slice %arg29[%multiple_of3A, %dma_start3A_374] : memref<16384x432xf32, #tpu.memory_space<hbm>> -> memref<512x16xf32, #tpu.memory_space<hbm>>
      %dma_start3A_376 = arith.constant 192 : i32
      %dma_start3A_377 = tpu.memref_slice %arg29[%multiple_of3A, %dma_start3A_376] : memref<16384x432xf32, #tpu.memory_space<hbm>> -> memref<512x16xf32, #tpu.memory_space<hbm>>
      tpu.enqueue_dma source(%arg34 : memref<512x16xf32, #tpu.memory_space<vmem>>) target(%dma_start3A_377 : memref<512x16xf32, #tpu.memory_space<hbm>>) target_semaphore(%run_scoped3A : memref<!tpu.dma_semaphore, #tpu.memory_space<semaphore_mem>>)
      %dma_wait3A_378 = arith.constant 192 : i32
      %dma_wait3A_379 = tpu.memref_slice %arg29[%multiple_of3A, %dma_wait3A_378] : memref<16384x432xf32, #tpu.memory_space<hbm>> -> memref<512x16xf32, #tpu.memory_space<hbm>>
      %dma_wait3A_380 = arith.constant 192 : i32
      %dma_wait3A_381 = tpu.memref_slice %arg29[%multiple_of3A, %dma_wait3A_380] : memref<16384x432xf32, #tpu.memory_space<hbm>> -> memref<512x16xf32, #tpu.memory_space<hbm>>
      tpu.wait_dma2 semaphore(%run_scoped3A : memref<!tpu.dma_semaphore, #tpu.memory_space<semaphore_mem>>) src(%arg34 : memref<512x16xf32, #tpu.memory_space<vmem>>) dst(%dma_wait3A_381 : memref<512x16xf32, #tpu.memory_space<hbm>>)
      tpu.yield
    }) : () -> ()
    %dma_start3A_185 = arith.constant 13 : i32
    %dma_start3A_186 = arith.constant 0 : i32
    %dma_start3A_187 = tpu.memref_slice %arg30[%dma_start3A_185, %dma_start3A_186] : memref<26x512xi32, #tpu.memory_space<vmem>> -> memref<1x512xi32, #tpu.memory_space<vmem>>
    %dma_start3A_188 = tpu.memref_squeeze %dma_start3A_187 : memref<1x512xi32, #tpu.memory_space<vmem>> -> memref<512xi32, #tpu.memory_space<vmem>>
    %dma_start3A_189 = arith.constant 0 : i32
    %dma_start3A_190 = arith.constant 0 : i32
    %dma_start3A_191 = tpu.memref_slice %arg16[%dma_start3A_189, %dma_start3A_190] : memref<100000x16xf32, #tpu.memory_space<hbm>> -> memref<100000x16xf32, #tpu.memory_space<hbm>>
    tpu.enqueue_indirect_dma source(%dma_start3A_191 : memref<100000x16xf32, #tpu.memory_space<hbm>>) target(%arg34 : memref<512x16xf32, #tpu.memory_space<vmem>>) offsets(%dma_start3A_188 : memref<512xi32, #tpu.memory_space<vmem>>) semaphore(%arg36 : memref<!tpu.dma_semaphore, #tpu.memory_space<semaphore_mem>>)
    %dma_wait3A_192 = arith.constant 12 : i32
    %dma_wait3A_193 = arith.constant 0 : i32
    %dma_wait3A_194 = tpu.memref_slice %arg30[%dma_wait3A_192, %dma_wait3A_193] : memref<26x512xi32, #tpu.memory_space<vmem>> -> memref<1x512xi32, #tpu.memory_space<vmem>>
    %dma_wait3A_195 = tpu.memref_squeeze %dma_wait3A_194 : memref<1x512xi32, #tpu.memory_space<vmem>> -> memref<512xi32, #tpu.memory_space<vmem>>
    %dma_wait3A_196 = arith.constant 0 : i32
    %dma_wait3A_197 = arith.constant 0 : i32
    %dma_wait3A_198 = tpu.memref_slice %arg15[%dma_wait3A_196, %dma_wait3A_197] : memref<100000x16xf32, #tpu.memory_space<hbm>> -> memref<100000x16xf32, #tpu.memory_space<hbm>>
    tpu.wait_indirect_dma semaphore(%arg35 : memref<!tpu.dma_semaphore, #tpu.memory_space<semaphore_mem>>) src(%dma_wait3A_198 : memref<100000x16xf32, #tpu.memory_space<hbm>>) dst(%arg33 : memref<512x16xf32, #tpu.memory_space<vmem>>)
    "tpu.region"() ({
      %run_scoped3A = tpu.sem_alloc : memref<!tpu.dma_semaphore, #tpu.memory_space<semaphore_mem>>
      %dma_start3A_374 = arith.constant 208 : i32
      %dma_start3A_375 = tpu.memref_slice %arg29[%multiple_of3A, %dma_start3A_374] : memref<16384x432xf32, #tpu.memory_space<hbm>> -> memref<512x16xf32, #tpu.memory_space<hbm>>
      %dma_start3A_376 = arith.constant 208 : i32
      %dma_start3A_377 = tpu.memref_slice %arg29[%multiple_of3A, %dma_start3A_376] : memref<16384x432xf32, #tpu.memory_space<hbm>> -> memref<512x16xf32, #tpu.memory_space<hbm>>
      tpu.enqueue_dma source(%arg33 : memref<512x16xf32, #tpu.memory_space<vmem>>) target(%dma_start3A_377 : memref<512x16xf32, #tpu.memory_space<hbm>>) target_semaphore(%run_scoped3A : memref<!tpu.dma_semaphore, #tpu.memory_space<semaphore_mem>>)
      %dma_wait3A_378 = arith.constant 208 : i32
      %dma_wait3A_379 = tpu.memref_slice %arg29[%multiple_of3A, %dma_wait3A_378] : memref<16384x432xf32, #tpu.memory_space<hbm>> -> memref<512x16xf32, #tpu.memory_space<hbm>>
      %dma_wait3A_380 = arith.constant 208 : i32
      %dma_wait3A_381 = tpu.memref_slice %arg29[%multiple_of3A, %dma_wait3A_380] : memref<16384x432xf32, #tpu.memory_space<hbm>> -> memref<512x16xf32, #tpu.memory_space<hbm>>
      tpu.wait_dma2 semaphore(%run_scoped3A : memref<!tpu.dma_semaphore, #tpu.memory_space<semaphore_mem>>) src(%arg33 : memref<512x16xf32, #tpu.memory_space<vmem>>) dst(%dma_wait3A_381 : memref<512x16xf32, #tpu.memory_space<hbm>>)
      tpu.yield
    }) : () -> ()
    %dma_start3A_199 = arith.constant 14 : i32
    %dma_start3A_200 = arith.constant 0 : i32
    %dma_start3A_201 = tpu.memref_slice %arg30[%dma_start3A_199, %dma_start3A_200] : memref<26x512xi32, #tpu.memory_space<vmem>> -> memref<1x512xi32, #tpu.memory_space<vmem>>
    %dma_start3A_202 = tpu.memref_squeeze %dma_start3A_201 : memref<1x512xi32, #tpu.memory_space<vmem>> -> memref<512xi32, #tpu.memory_space<vmem>>
    %dma_start3A_203 = arith.constant 0 : i32
    %dma_start3A_204 = arith.constant 0 : i32
    %dma_start3A_205 = tpu.memref_slice %arg17[%dma_start3A_203, %dma_start3A_204] : memref<100000x16xf32, #tpu.memory_space<hbm>> -> memref<100000x16xf32, #tpu.memory_space<hbm>>
    tpu.enqueue_indirect_dma source(%dma_start3A_205 : memref<100000x16xf32, #tpu.memory_space<hbm>>) target(%arg33 : memref<512x16xf32, #tpu.memory_space<vmem>>) offsets(%dma_start3A_202 : memref<512xi32, #tpu.memory_space<vmem>>) semaphore(%arg35 : memref<!tpu.dma_semaphore, #tpu.memory_space<semaphore_mem>>)
    %dma_wait3A_206 = arith.constant 13 : i32
    %dma_wait3A_207 = arith.constant 0 : i32
    %dma_wait3A_208 = tpu.memref_slice %arg30[%dma_wait3A_206, %dma_wait3A_207] : memref<26x512xi32, #tpu.memory_space<vmem>> -> memref<1x512xi32, #tpu.memory_space<vmem>>
    %dma_wait3A_209 = tpu.memref_squeeze %dma_wait3A_208 : memref<1x512xi32, #tpu.memory_space<vmem>> -> memref<512xi32, #tpu.memory_space<vmem>>
    %dma_wait3A_210 = arith.constant 0 : i32
    %dma_wait3A_211 = arith.constant 0 : i32
    %dma_wait3A_212 = tpu.memref_slice %arg16[%dma_wait3A_210, %dma_wait3A_211] : memref<100000x16xf32, #tpu.memory_space<hbm>> -> memref<100000x16xf32, #tpu.memory_space<hbm>>
    tpu.wait_indirect_dma semaphore(%arg36 : memref<!tpu.dma_semaphore, #tpu.memory_space<semaphore_mem>>) src(%dma_wait3A_212 : memref<100000x16xf32, #tpu.memory_space<hbm>>) dst(%arg34 : memref<512x16xf32, #tpu.memory_space<vmem>>)
    "tpu.region"() ({
      %run_scoped3A = tpu.sem_alloc : memref<!tpu.dma_semaphore, #tpu.memory_space<semaphore_mem>>
      %dma_start3A_374 = arith.constant 224 : i32
      %dma_start3A_375 = tpu.memref_slice %arg29[%multiple_of3A, %dma_start3A_374] : memref<16384x432xf32, #tpu.memory_space<hbm>> -> memref<512x16xf32, #tpu.memory_space<hbm>>
      %dma_start3A_376 = arith.constant 224 : i32
      %dma_start3A_377 = tpu.memref_slice %arg29[%multiple_of3A, %dma_start3A_376] : memref<16384x432xf32, #tpu.memory_space<hbm>> -> memref<512x16xf32, #tpu.memory_space<hbm>>
      tpu.enqueue_dma source(%arg34 : memref<512x16xf32, #tpu.memory_space<vmem>>) target(%dma_start3A_377 : memref<512x16xf32, #tpu.memory_space<hbm>>) target_semaphore(%run_scoped3A : memref<!tpu.dma_semaphore, #tpu.memory_space<semaphore_mem>>)
      %dma_wait3A_378 = arith.constant 224 : i32
      %dma_wait3A_379 = tpu.memref_slice %arg29[%multiple_of3A, %dma_wait3A_378] : memref<16384x432xf32, #tpu.memory_space<hbm>> -> memref<512x16xf32, #tpu.memory_space<hbm>>
      %dma_wait3A_380 = arith.constant 224 : i32
      %dma_wait3A_381 = tpu.memref_slice %arg29[%multiple_of3A, %dma_wait3A_380] : memref<16384x432xf32, #tpu.memory_space<hbm>> -> memref<512x16xf32, #tpu.memory_space<hbm>>
      tpu.wait_dma2 semaphore(%run_scoped3A : memref<!tpu.dma_semaphore, #tpu.memory_space<semaphore_mem>>) src(%arg34 : memref<512x16xf32, #tpu.memory_space<vmem>>) dst(%dma_wait3A_381 : memref<512x16xf32, #tpu.memory_space<hbm>>)
      tpu.yield
    }) : () -> ()
    %dma_start3A_213 = arith.constant 15 : i32
    %dma_start3A_214 = arith.constant 0 : i32
    %dma_start3A_215 = tpu.memref_slice %arg30[%dma_start3A_213, %dma_start3A_214] : memref<26x512xi32, #tpu.memory_space<vmem>> -> memref<1x512xi32, #tpu.memory_space<vmem>>
    %dma_start3A_216 = tpu.memref_squeeze %dma_start3A_215 : memref<1x512xi32, #tpu.memory_space<vmem>> -> memref<512xi32, #tpu.memory_space<vmem>>
    %dma_start3A_217 = arith.constant 0 : i32
    %dma_start3A_218 = arith.constant 0 : i32
    %dma_start3A_219 = tpu.memref_slice %arg18[%dma_start3A_217, %dma_start3A_218] : memref<100000x16xf32, #tpu.memory_space<hbm>> -> memref<100000x16xf32, #tpu.memory_space<hbm>>
    tpu.enqueue_indirect_dma source(%dma_start3A_219 : memref<100000x16xf32, #tpu.memory_space<hbm>>) target(%arg34 : memref<512x16xf32, #tpu.memory_space<vmem>>) offsets(%dma_start3A_216 : memref<512xi32, #tpu.memory_space<vmem>>) semaphore(%arg36 : memref<!tpu.dma_semaphore, #tpu.memory_space<semaphore_mem>>)
    %dma_wait3A_220 = arith.constant 14 : i32
    %dma_wait3A_221 = arith.constant 0 : i32
    %dma_wait3A_222 = tpu.memref_slice %arg30[%dma_wait3A_220, %dma_wait3A_221] : memref<26x512xi32, #tpu.memory_space<vmem>> -> memref<1x512xi32, #tpu.memory_space<vmem>>
    %dma_wait3A_223 = tpu.memref_squeeze %dma_wait3A_222 : memref<1x512xi32, #tpu.memory_space<vmem>> -> memref<512xi32, #tpu.memory_space<vmem>>
    %dma_wait3A_224 = arith.constant 0 : i32
    %dma_wait3A_225 = arith.constant 0 : i32
    %dma_wait3A_226 = tpu.memref_slice %arg17[%dma_wait3A_224, %dma_wait3A_225] : memref<100000x16xf32, #tpu.memory_space<hbm>> -> memref<100000x16xf32, #tpu.memory_space<hbm>>
    tpu.wait_indirect_dma semaphore(%arg35 : memref<!tpu.dma_semaphore, #tpu.memory_space<semaphore_mem>>) src(%dma_wait3A_226 : memref<100000x16xf32, #tpu.memory_space<hbm>>) dst(%arg33 : memref<512x16xf32, #tpu.memory_space<vmem>>)
    "tpu.region"() ({
      %run_scoped3A = tpu.sem_alloc : memref<!tpu.dma_semaphore, #tpu.memory_space<semaphore_mem>>
      %dma_start3A_374 = arith.constant 240 : i32
      %dma_start3A_375 = tpu.memref_slice %arg29[%multiple_of3A, %dma_start3A_374] : memref<16384x432xf32, #tpu.memory_space<hbm>> -> memref<512x16xf32, #tpu.memory_space<hbm>>
      %dma_start3A_376 = arith.constant 240 : i32
      %dma_start3A_377 = tpu.memref_slice %arg29[%multiple_of3A, %dma_start3A_376] : memref<16384x432xf32, #tpu.memory_space<hbm>> -> memref<512x16xf32, #tpu.memory_space<hbm>>
      tpu.enqueue_dma source(%arg33 : memref<512x16xf32, #tpu.memory_space<vmem>>) target(%dma_start3A_377 : memref<512x16xf32, #tpu.memory_space<hbm>>) target_semaphore(%run_scoped3A : memref<!tpu.dma_semaphore, #tpu.memory_space<semaphore_mem>>)
      %dma_wait3A_378 = arith.constant 240 : i32
      %dma_wait3A_379 = tpu.memref_slice %arg29[%multiple_of3A, %dma_wait3A_378] : memref<16384x432xf32, #tpu.memory_space<hbm>> -> memref<512x16xf32, #tpu.memory_space<hbm>>
      %dma_wait3A_380 = arith.constant 240 : i32
      %dma_wait3A_381 = tpu.memref_slice %arg29[%multiple_of3A, %dma_wait3A_380] : memref<16384x432xf32, #tpu.memory_space<hbm>> -> memref<512x16xf32, #tpu.memory_space<hbm>>
      tpu.wait_dma2 semaphore(%run_scoped3A : memref<!tpu.dma_semaphore, #tpu.memory_space<semaphore_mem>>) src(%arg33 : memref<512x16xf32, #tpu.memory_space<vmem>>) dst(%dma_wait3A_381 : memref<512x16xf32, #tpu.memory_space<hbm>>)
      tpu.yield
    }) : () -> ()
    %dma_start3A_227 = arith.constant 16 : i32
    %dma_start3A_228 = arith.constant 0 : i32
    %dma_start3A_229 = tpu.memref_slice %arg30[%dma_start3A_227, %dma_start3A_228] : memref<26x512xi32, #tpu.memory_space<vmem>> -> memref<1x512xi32, #tpu.memory_space<vmem>>
    %dma_start3A_230 = tpu.memref_squeeze %dma_start3A_229 : memref<1x512xi32, #tpu.memory_space<vmem>> -> memref<512xi32, #tpu.memory_space<vmem>>
    %dma_start3A_231 = arith.constant 0 : i32
    %dma_start3A_232 = arith.constant 0 : i32
    %dma_start3A_233 = tpu.memref_slice %arg19[%dma_start3A_231, %dma_start3A_232] : memref<100000x16xf32, #tpu.memory_space<hbm>> -> memref<100000x16xf32, #tpu.memory_space<hbm>>
    tpu.enqueue_indirect_dma source(%dma_start3A_233 : memref<100000x16xf32, #tpu.memory_space<hbm>>) target(%arg33 : memref<512x16xf32, #tpu.memory_space<vmem>>) offsets(%dma_start3A_230 : memref<512xi32, #tpu.memory_space<vmem>>) semaphore(%arg35 : memref<!tpu.dma_semaphore, #tpu.memory_space<semaphore_mem>>)
    %dma_wait3A_234 = arith.constant 15 : i32
    %dma_wait3A_235 = arith.constant 0 : i32
    %dma_wait3A_236 = tpu.memref_slice %arg30[%dma_wait3A_234, %dma_wait3A_235] : memref<26x512xi32, #tpu.memory_space<vmem>> -> memref<1x512xi32, #tpu.memory_space<vmem>>
    %dma_wait3A_237 = tpu.memref_squeeze %dma_wait3A_236 : memref<1x512xi32, #tpu.memory_space<vmem>> -> memref<512xi32, #tpu.memory_space<vmem>>
    %dma_wait3A_238 = arith.constant 0 : i32
    %dma_wait3A_239 = arith.constant 0 : i32
    %dma_wait3A_240 = tpu.memref_slice %arg18[%dma_wait3A_238, %dma_wait3A_239] : memref<100000x16xf32, #tpu.memory_space<hbm>> -> memref<100000x16xf32, #tpu.memory_space<hbm>>
    tpu.wait_indirect_dma semaphore(%arg36 : memref<!tpu.dma_semaphore, #tpu.memory_space<semaphore_mem>>) src(%dma_wait3A_240 : memref<100000x16xf32, #tpu.memory_space<hbm>>) dst(%arg34 : memref<512x16xf32, #tpu.memory_space<vmem>>)
    "tpu.region"() ({
      %run_scoped3A = tpu.sem_alloc : memref<!tpu.dma_semaphore, #tpu.memory_space<semaphore_mem>>
      %dma_start3A_374 = arith.constant 256 : i32
      %dma_start3A_375 = tpu.memref_slice %arg29[%multiple_of3A, %dma_start3A_374] : memref<16384x432xf32, #tpu.memory_space<hbm>> -> memref<512x16xf32, #tpu.memory_space<hbm>>
      %dma_start3A_376 = arith.constant 256 : i32
      %dma_start3A_377 = tpu.memref_slice %arg29[%multiple_of3A, %dma_start3A_376] : memref<16384x432xf32, #tpu.memory_space<hbm>> -> memref<512x16xf32, #tpu.memory_space<hbm>>
      tpu.enqueue_dma source(%arg34 : memref<512x16xf32, #tpu.memory_space<vmem>>) target(%dma_start3A_377 : memref<512x16xf32, #tpu.memory_space<hbm>>) target_semaphore(%run_scoped3A : memref<!tpu.dma_semaphore, #tpu.memory_space<semaphore_mem>>)
      %dma_wait3A_378 = arith.constant 256 : i32
      %dma_wait3A_379 = tpu.memref_slice %arg29[%multiple_of3A, %dma_wait3A_378] : memref<16384x432xf32, #tpu.memory_space<hbm>> -> memref<512x16xf32, #tpu.memory_space<hbm>>
      %dma_wait3A_380 = arith.constant 256 : i32
      %dma_wait3A_381 = tpu.memref_slice %arg29[%multiple_of3A, %dma_wait3A_380] : memref<16384x432xf32, #tpu.memory_space<hbm>> -> memref<512x16xf32, #tpu.memory_space<hbm>>
      tpu.wait_dma2 semaphore(%run_scoped3A : memref<!tpu.dma_semaphore, #tpu.memory_space<semaphore_mem>>) src(%arg34 : memref<512x16xf32, #tpu.memory_space<vmem>>) dst(%dma_wait3A_381 : memref<512x16xf32, #tpu.memory_space<hbm>>)
      tpu.yield
    }) : () -> ()
    %dma_start3A_241 = arith.constant 17 : i32
    %dma_start3A_242 = arith.constant 0 : i32
    %dma_start3A_243 = tpu.memref_slice %arg30[%dma_start3A_241, %dma_start3A_242] : memref<26x512xi32, #tpu.memory_space<vmem>> -> memref<1x512xi32, #tpu.memory_space<vmem>>
    %dma_start3A_244 = tpu.memref_squeeze %dma_start3A_243 : memref<1x512xi32, #tpu.memory_space<vmem>> -> memref<512xi32, #tpu.memory_space<vmem>>
    %dma_start3A_245 = arith.constant 0 : i32
    %dma_start3A_246 = arith.constant 0 : i32
    %dma_start3A_247 = tpu.memref_slice %arg20[%dma_start3A_245, %dma_start3A_246] : memref<100000x16xf32, #tpu.memory_space<hbm>> -> memref<100000x16xf32, #tpu.memory_space<hbm>>
    tpu.enqueue_indirect_dma source(%dma_start3A_247 : memref<100000x16xf32, #tpu.memory_space<hbm>>) target(%arg34 : memref<512x16xf32, #tpu.memory_space<vmem>>) offsets(%dma_start3A_244 : memref<512xi32, #tpu.memory_space<vmem>>) semaphore(%arg36 : memref<!tpu.dma_semaphore, #tpu.memory_space<semaphore_mem>>)
    %dma_wait3A_248 = arith.constant 16 : i32
    %dma_wait3A_249 = arith.constant 0 : i32
    %dma_wait3A_250 = tpu.memref_slice %arg30[%dma_wait3A_248, %dma_wait3A_249] : memref<26x512xi32, #tpu.memory_space<vmem>> -> memref<1x512xi32, #tpu.memory_space<vmem>>
    %dma_wait3A_251 = tpu.memref_squeeze %dma_wait3A_250 : memref<1x512xi32, #tpu.memory_space<vmem>> -> memref<512xi32, #tpu.memory_space<vmem>>
    %dma_wait3A_252 = arith.constant 0 : i32
    %dma_wait3A_253 = arith.constant 0 : i32
    %dma_wait3A_254 = tpu.memref_slice %arg19[%dma_wait3A_252, %dma_wait3A_253] : memref<100000x16xf32, #tpu.memory_space<hbm>> -> memref<100000x16xf32, #tpu.memory_space<hbm>>
    tpu.wait_indirect_dma semaphore(%arg35 : memref<!tpu.dma_semaphore, #tpu.memory_space<semaphore_mem>>) src(%dma_wait3A_254 : memref<100000x16xf32, #tpu.memory_space<hbm>>) dst(%arg33 : memref<512x16xf32, #tpu.memory_space<vmem>>)
    "tpu.region"() ({
      %run_scoped3A = tpu.sem_alloc : memref<!tpu.dma_semaphore, #tpu.memory_space<semaphore_mem>>
      %dma_start3A_374 = arith.constant 272 : i32
      %dma_start3A_375 = tpu.memref_slice %arg29[%multiple_of3A, %dma_start3A_374] : memref<16384x432xf32, #tpu.memory_space<hbm>> -> memref<512x16xf32, #tpu.memory_space<hbm>>
      %dma_start3A_376 = arith.constant 272 : i32
      %dma_start3A_377 = tpu.memref_slice %arg29[%multiple_of3A, %dma_start3A_376] : memref<16384x432xf32, #tpu.memory_space<hbm>> -> memref<512x16xf32, #tpu.memory_space<hbm>>
      tpu.enqueue_dma source(%arg33 : memref<512x16xf32, #tpu.memory_space<vmem>>) target(%dma_start3A_377 : memref<512x16xf32, #tpu.memory_space<hbm>>) target_semaphore(%run_scoped3A : memref<!tpu.dma_semaphore, #tpu.memory_space<semaphore_mem>>)
      %dma_wait3A_378 = arith.constant 272 : i32
      %dma_wait3A_379 = tpu.memref_slice %arg29[%multiple_of3A, %dma_wait3A_378] : memref<16384x432xf32, #tpu.memory_space<hbm>> -> memref<512x16xf32, #tpu.memory_space<hbm>>
      %dma_wait3A_380 = arith.constant 272 : i32
      %dma_wait3A_381 = tpu.memref_slice %arg29[%multiple_of3A, %dma_wait3A_380] : memref<16384x432xf32, #tpu.memory_space<hbm>> -> memref<512x16xf32, #tpu.memory_space<hbm>>
      tpu.wait_dma2 semaphore(%run_scoped3A : memref<!tpu.dma_semaphore, #tpu.memory_space<semaphore_mem>>) src(%arg33 : memref<512x16xf32, #tpu.memory_space<vmem>>) dst(%dma_wait3A_381 : memref<512x16xf32, #tpu.memory_space<hbm>>)
      tpu.yield
    }) : () -> ()
    %dma_start3A_255 = arith.constant 18 : i32
    %dma_start3A_256 = arith.constant 0 : i32
    %dma_start3A_257 = tpu.memref_slice %arg30[%dma_start3A_255, %dma_start3A_256] : memref<26x512xi32, #tpu.memory_space<vmem>> -> memref<1x512xi32, #tpu.memory_space<vmem>>
    %dma_start3A_258 = tpu.memref_squeeze %dma_start3A_257 : memref<1x512xi32, #tpu.memory_space<vmem>> -> memref<512xi32, #tpu.memory_space<vmem>>
    %dma_start3A_259 = arith.constant 0 : i32
    %dma_start3A_260 = arith.constant 0 : i32
    %dma_start3A_261 = tpu.memref_slice %arg21[%dma_start3A_259, %dma_start3A_260] : memref<100000x16xf32, #tpu.memory_space<hbm>> -> memref<100000x16xf32, #tpu.memory_space<hbm>>
    tpu.enqueue_indirect_dma source(%dma_start3A_261 : memref<100000x16xf32, #tpu.memory_space<hbm>>) target(%arg33 : memref<512x16xf32, #tpu.memory_space<vmem>>) offsets(%dma_start3A_258 : memref<512xi32, #tpu.memory_space<vmem>>) semaphore(%arg35 : memref<!tpu.dma_semaphore, #tpu.memory_space<semaphore_mem>>)
    %dma_wait3A_262 = arith.constant 17 : i32
    %dma_wait3A_263 = arith.constant 0 : i32
    %dma_wait3A_264 = tpu.memref_slice %arg30[%dma_wait3A_262, %dma_wait3A_263] : memref<26x512xi32, #tpu.memory_space<vmem>> -> memref<1x512xi32, #tpu.memory_space<vmem>>
    %dma_wait3A_265 = tpu.memref_squeeze %dma_wait3A_264 : memref<1x512xi32, #tpu.memory_space<vmem>> -> memref<512xi32, #tpu.memory_space<vmem>>
    %dma_wait3A_266 = arith.constant 0 : i32
    %dma_wait3A_267 = arith.constant 0 : i32
    %dma_wait3A_268 = tpu.memref_slice %arg20[%dma_wait3A_266, %dma_wait3A_267] : memref<100000x16xf32, #tpu.memory_space<hbm>> -> memref<100000x16xf32, #tpu.memory_space<hbm>>
    tpu.wait_indirect_dma semaphore(%arg36 : memref<!tpu.dma_semaphore, #tpu.memory_space<semaphore_mem>>) src(%dma_wait3A_268 : memref<100000x16xf32, #tpu.memory_space<hbm>>) dst(%arg34 : memref<512x16xf32, #tpu.memory_space<vmem>>)
    "tpu.region"() ({
      %run_scoped3A = tpu.sem_alloc : memref<!tpu.dma_semaphore, #tpu.memory_space<semaphore_mem>>
      %dma_start3A_374 = arith.constant 288 : i32
      %dma_start3A_375 = tpu.memref_slice %arg29[%multiple_of3A, %dma_start3A_374] : memref<16384x432xf32, #tpu.memory_space<hbm>> -> memref<512x16xf32, #tpu.memory_space<hbm>>
      %dma_start3A_376 = arith.constant 288 : i32
      %dma_start3A_377 = tpu.memref_slice %arg29[%multiple_of3A, %dma_start3A_376] : memref<16384x432xf32, #tpu.memory_space<hbm>> -> memref<512x16xf32, #tpu.memory_space<hbm>>
      tpu.enqueue_dma source(%arg34 : memref<512x16xf32, #tpu.memory_space<vmem>>) target(%dma_start3A_377 : memref<512x16xf32, #tpu.memory_space<hbm>>) target_semaphore(%run_scoped3A : memref<!tpu.dma_semaphore, #tpu.memory_space<semaphore_mem>>)
      %dma_wait3A_378 = arith.constant 288 : i32
      %dma_wait3A_379 = tpu.memref_slice %arg29[%multiple_of3A, %dma_wait3A_378] : memref<16384x432xf32, #tpu.memory_space<hbm>> -> memref<512x16xf32, #tpu.memory_space<hbm>>
      %dma_wait3A_380 = arith.constant 288 : i32
      %dma_wait3A_381 = tpu.memref_slice %arg29[%multiple_of3A, %dma_wait3A_380] : memref<16384x432xf32, #tpu.memory_space<hbm>> -> memref<512x16xf32, #tpu.memory_space<hbm>>
      tpu.wait_dma2 semaphore(%run_scoped3A : memref<!tpu.dma_semaphore, #tpu.memory_space<semaphore_mem>>) src(%arg34 : memref<512x16xf32, #tpu.memory_space<vmem>>) dst(%dma_wait3A_381 : memref<512x16xf32, #tpu.memory_space<hbm>>)
      tpu.yield
    }) : () -> ()
    %dma_start3A_269 = arith.constant 19 : i32
    %dma_start3A_270 = arith.constant 0 : i32
    %dma_start3A_271 = tpu.memref_slice %arg30[%dma_start3A_269, %dma_start3A_270] : memref<26x512xi32, #tpu.memory_space<vmem>> -> memref<1x512xi32, #tpu.memory_space<vmem>>
    %dma_start3A_272 = tpu.memref_squeeze %dma_start3A_271 : memref<1x512xi32, #tpu.memory_space<vmem>> -> memref<512xi32, #tpu.memory_space<vmem>>
    %dma_start3A_273 = arith.constant 0 : i32
    %dma_start3A_274 = arith.constant 0 : i32
    %dma_start3A_275 = tpu.memref_slice %arg22[%dma_start3A_273, %dma_start3A_274] : memref<100000x16xf32, #tpu.memory_space<hbm>> -> memref<100000x16xf32, #tpu.memory_space<hbm>>
    tpu.enqueue_indirect_dma source(%dma_start3A_275 : memref<100000x16xf32, #tpu.memory_space<hbm>>) target(%arg34 : memref<512x16xf32, #tpu.memory_space<vmem>>) offsets(%dma_start3A_272 : memref<512xi32, #tpu.memory_space<vmem>>) semaphore(%arg36 : memref<!tpu.dma_semaphore, #tpu.memory_space<semaphore_mem>>)
    %dma_wait3A_276 = arith.constant 18 : i32
    %dma_wait3A_277 = arith.constant 0 : i32
    %dma_wait3A_278 = tpu.memref_slice %arg30[%dma_wait3A_276, %dma_wait3A_277] : memref<26x512xi32, #tpu.memory_space<vmem>> -> memref<1x512xi32, #tpu.memory_space<vmem>>
    %dma_wait3A_279 = tpu.memref_squeeze %dma_wait3A_278 : memref<1x512xi32, #tpu.memory_space<vmem>> -> memref<512xi32, #tpu.memory_space<vmem>>
    %dma_wait3A_280 = arith.constant 0 : i32
    %dma_wait3A_281 = arith.constant 0 : i32
    %dma_wait3A_282 = tpu.memref_slice %arg21[%dma_wait3A_280, %dma_wait3A_281] : memref<100000x16xf32, #tpu.memory_space<hbm>> -> memref<100000x16xf32, #tpu.memory_space<hbm>>
    tpu.wait_indirect_dma semaphore(%arg35 : memref<!tpu.dma_semaphore, #tpu.memory_space<semaphore_mem>>) src(%dma_wait3A_282 : memref<100000x16xf32, #tpu.memory_space<hbm>>) dst(%arg33 : memref<512x16xf32, #tpu.memory_space<vmem>>)
    "tpu.region"() ({
      %run_scoped3A = tpu.sem_alloc : memref<!tpu.dma_semaphore, #tpu.memory_space<semaphore_mem>>
      %dma_start3A_374 = arith.constant 304 : i32
      %dma_start3A_375 = tpu.memref_slice %arg29[%multiple_of3A, %dma_start3A_374] : memref<16384x432xf32, #tpu.memory_space<hbm>> -> memref<512x16xf32, #tpu.memory_space<hbm>>
      %dma_start3A_376 = arith.constant 304 : i32
      %dma_start3A_377 = tpu.memref_slice %arg29[%multiple_of3A, %dma_start3A_376] : memref<16384x432xf32, #tpu.memory_space<hbm>> -> memref<512x16xf32, #tpu.memory_space<hbm>>
      tpu.enqueue_dma source(%arg33 : memref<512x16xf32, #tpu.memory_space<vmem>>) target(%dma_start3A_377 : memref<512x16xf32, #tpu.memory_space<hbm>>) target_semaphore(%run_scoped3A : memref<!tpu.dma_semaphore, #tpu.memory_space<semaphore_mem>>)
      %dma_wait3A_378 = arith.constant 304 : i32
      %dma_wait3A_379 = tpu.memref_slice %arg29[%multiple_of3A, %dma_wait3A_378] : memref<16384x432xf32, #tpu.memory_space<hbm>> -> memref<512x16xf32, #tpu.memory_space<hbm>>
      %dma_wait3A_380 = arith.constant 304 : i32
      %dma_wait3A_381 = tpu.memref_slice %arg29[%multiple_of3A, %dma_wait3A_380] : memref<16384x432xf32, #tpu.memory_space<hbm>> -> memref<512x16xf32, #tpu.memory_space<hbm>>
      tpu.wait_dma2 semaphore(%run_scoped3A : memref<!tpu.dma_semaphore, #tpu.memory_space<semaphore_mem>>) src(%arg33 : memref<512x16xf32, #tpu.memory_space<vmem>>) dst(%dma_wait3A_381 : memref<512x16xf32, #tpu.memory_space<hbm>>)
      tpu.yield
    }) : () -> ()
    %dma_start3A_283 = arith.constant 20 : i32
    %dma_start3A_284 = arith.constant 0 : i32
    %dma_start3A_285 = tpu.memref_slice %arg30[%dma_start3A_283, %dma_start3A_284] : memref<26x512xi32, #tpu.memory_space<vmem>> -> memref<1x512xi32, #tpu.memory_space<vmem>>
    %dma_start3A_286 = tpu.memref_squeeze %dma_start3A_285 : memref<1x512xi32, #tpu.memory_space<vmem>> -> memref<512xi32, #tpu.memory_space<vmem>>
    %dma_start3A_287 = arith.constant 0 : i32
    %dma_start3A_288 = arith.constant 0 : i32
    %dma_start3A_289 = tpu.memref_slice %arg23[%dma_start3A_287, %dma_start3A_288] : memref<100000x16xf32, #tpu.memory_space<hbm>> -> memref<100000x16xf32, #tpu.memory_space<hbm>>
    tpu.enqueue_indirect_dma source(%dma_start3A_289 : memref<100000x16xf32, #tpu.memory_space<hbm>>) target(%arg33 : memref<512x16xf32, #tpu.memory_space<vmem>>) offsets(%dma_start3A_286 : memref<512xi32, #tpu.memory_space<vmem>>) semaphore(%arg35 : memref<!tpu.dma_semaphore, #tpu.memory_space<semaphore_mem>>)
    %dma_wait3A_290 = arith.constant 19 : i32
    %dma_wait3A_291 = arith.constant 0 : i32
    %dma_wait3A_292 = tpu.memref_slice %arg30[%dma_wait3A_290, %dma_wait3A_291] : memref<26x512xi32, #tpu.memory_space<vmem>> -> memref<1x512xi32, #tpu.memory_space<vmem>>
    %dma_wait3A_293 = tpu.memref_squeeze %dma_wait3A_292 : memref<1x512xi32, #tpu.memory_space<vmem>> -> memref<512xi32, #tpu.memory_space<vmem>>
    %dma_wait3A_294 = arith.constant 0 : i32
    %dma_wait3A_295 = arith.constant 0 : i32
    %dma_wait3A_296 = tpu.memref_slice %arg22[%dma_wait3A_294, %dma_wait3A_295] : memref<100000x16xf32, #tpu.memory_space<hbm>> -> memref<100000x16xf32, #tpu.memory_space<hbm>>
    tpu.wait_indirect_dma semaphore(%arg36 : memref<!tpu.dma_semaphore, #tpu.memory_space<semaphore_mem>>) src(%dma_wait3A_296 : memref<100000x16xf32, #tpu.memory_space<hbm>>) dst(%arg34 : memref<512x16xf32, #tpu.memory_space<vmem>>)
    "tpu.region"() ({
      %run_scoped3A = tpu.sem_alloc : memref<!tpu.dma_semaphore, #tpu.memory_space<semaphore_mem>>
      %dma_start3A_374 = arith.constant 320 : i32
      %dma_start3A_375 = tpu.memref_slice %arg29[%multiple_of3A, %dma_start3A_374] : memref<16384x432xf32, #tpu.memory_space<hbm>> -> memref<512x16xf32, #tpu.memory_space<hbm>>
      %dma_start3A_376 = arith.constant 320 : i32
      %dma_start3A_377 = tpu.memref_slice %arg29[%multiple_of3A, %dma_start3A_376] : memref<16384x432xf32, #tpu.memory_space<hbm>> -> memref<512x16xf32, #tpu.memory_space<hbm>>
      tpu.enqueue_dma source(%arg34 : memref<512x16xf32, #tpu.memory_space<vmem>>) target(%dma_start3A_377 : memref<512x16xf32, #tpu.memory_space<hbm>>) target_semaphore(%run_scoped3A : memref<!tpu.dma_semaphore, #tpu.memory_space<semaphore_mem>>)
      %dma_wait3A_378 = arith.constant 320 : i32
      %dma_wait3A_379 = tpu.memref_slice %arg29[%multiple_of3A, %dma_wait3A_378] : memref<16384x432xf32, #tpu.memory_space<hbm>> -> memref<512x16xf32, #tpu.memory_space<hbm>>
      %dma_wait3A_380 = arith.constant 320 : i32
      %dma_wait3A_381 = tpu.memref_slice %arg29[%multiple_of3A, %dma_wait3A_380] : memref<16384x432xf32, #tpu.memory_space<hbm>> -> memref<512x16xf32, #tpu.memory_space<hbm>>
      tpu.wait_dma2 semaphore(%run_scoped3A : memref<!tpu.dma_semaphore, #tpu.memory_space<semaphore_mem>>) src(%arg34 : memref<512x16xf32, #tpu.memory_space<vmem>>) dst(%dma_wait3A_381 : memref<512x16xf32, #tpu.memory_space<hbm>>)
      tpu.yield
    }) : () -> ()
    %dma_start3A_297 = arith.constant 21 : i32
    %dma_start3A_298 = arith.constant 0 : i32
    %dma_start3A_299 = tpu.memref_slice %arg30[%dma_start3A_297, %dma_start3A_298] : memref<26x512xi32, #tpu.memory_space<vmem>> -> memref<1x512xi32, #tpu.memory_space<vmem>>
    %dma_start3A_300 = tpu.memref_squeeze %dma_start3A_299 : memref<1x512xi32, #tpu.memory_space<vmem>> -> memref<512xi32, #tpu.memory_space<vmem>>
    %dma_start3A_301 = arith.constant 0 : i32
    %dma_start3A_302 = arith.constant 0 : i32
    %dma_start3A_303 = tpu.memref_slice %arg24[%dma_start3A_301, %dma_start3A_302] : memref<100000x16xf32, #tpu.memory_space<hbm>> -> memref<100000x16xf32, #tpu.memory_space<hbm>>
    tpu.enqueue_indirect_dma source(%dma_start3A_303 : memref<100000x16xf32, #tpu.memory_space<hbm>>) target(%arg34 : memref<512x16xf32, #tpu.memory_space<vmem>>) offsets(%dma_start3A_300 : memref<512xi32, #tpu.memory_space<vmem>>) semaphore(%arg36 : memref<!tpu.dma_semaphore, #tpu.memory_space<semaphore_mem>>)
    %dma_wait3A_304 = arith.constant 20 : i32
    %dma_wait3A_305 = arith.constant 0 : i32
    %dma_wait3A_306 = tpu.memref_slice %arg30[%dma_wait3A_304, %dma_wait3A_305] : memref<26x512xi32, #tpu.memory_space<vmem>> -> memref<1x512xi32, #tpu.memory_space<vmem>>
    %dma_wait3A_307 = tpu.memref_squeeze %dma_wait3A_306 : memref<1x512xi32, #tpu.memory_space<vmem>> -> memref<512xi32, #tpu.memory_space<vmem>>
    %dma_wait3A_308 = arith.constant 0 : i32
    %dma_wait3A_309 = arith.constant 0 : i32
    %dma_wait3A_310 = tpu.memref_slice %arg23[%dma_wait3A_308, %dma_wait3A_309] : memref<100000x16xf32, #tpu.memory_space<hbm>> -> memref<100000x16xf32, #tpu.memory_space<hbm>>
    tpu.wait_indirect_dma semaphore(%arg35 : memref<!tpu.dma_semaphore, #tpu.memory_space<semaphore_mem>>) src(%dma_wait3A_310 : memref<100000x16xf32, #tpu.memory_space<hbm>>) dst(%arg33 : memref<512x16xf32, #tpu.memory_space<vmem>>)
    "tpu.region"() ({
      %run_scoped3A = tpu.sem_alloc : memref<!tpu.dma_semaphore, #tpu.memory_space<semaphore_mem>>
      %dma_start3A_374 = arith.constant 336 : i32
      %dma_start3A_375 = tpu.memref_slice %arg29[%multiple_of3A, %dma_start3A_374] : memref<16384x432xf32, #tpu.memory_space<hbm>> -> memref<512x16xf32, #tpu.memory_space<hbm>>
      %dma_start3A_376 = arith.constant 336 : i32
      %dma_start3A_377 = tpu.memref_slice %arg29[%multiple_of3A, %dma_start3A_376] : memref<16384x432xf32, #tpu.memory_space<hbm>> -> memref<512x16xf32, #tpu.memory_space<hbm>>
      tpu.enqueue_dma source(%arg33 : memref<512x16xf32, #tpu.memory_space<vmem>>) target(%dma_start3A_377 : memref<512x16xf32, #tpu.memory_space<hbm>>) target_semaphore(%run_scoped3A : memref<!tpu.dma_semaphore, #tpu.memory_space<semaphore_mem>>)
      %dma_wait3A_378 = arith.constant 336 : i32
      %dma_wait3A_379 = tpu.memref_slice %arg29[%multiple_of3A, %dma_wait3A_378] : memref<16384x432xf32, #tpu.memory_space<hbm>> -> memref<512x16xf32, #tpu.memory_space<hbm>>
      %dma_wait3A_380 = arith.constant 336 : i32
      %dma_wait3A_381 = tpu.memref_slice %arg29[%multiple_of3A, %dma_wait3A_380] : memref<16384x432xf32, #tpu.memory_space<hbm>> -> memref<512x16xf32, #tpu.memory_space<hbm>>
      tpu.wait_dma2 semaphore(%run_scoped3A : memref<!tpu.dma_semaphore, #tpu.memory_space<semaphore_mem>>) src(%arg33 : memref<512x16xf32, #tpu.memory_space<vmem>>) dst(%dma_wait3A_381 : memref<512x16xf32, #tpu.memory_space<hbm>>)
      tpu.yield
    }) : () -> ()
    %dma_start3A_311 = arith.constant 22 : i32
    %dma_start3A_312 = arith.constant 0 : i32
    %dma_start3A_313 = tpu.memref_slice %arg30[%dma_start3A_311, %dma_start3A_312] : memref<26x512xi32, #tpu.memory_space<vmem>> -> memref<1x512xi32, #tpu.memory_space<vmem>>
    %dma_start3A_314 = tpu.memref_squeeze %dma_start3A_313 : memref<1x512xi32, #tpu.memory_space<vmem>> -> memref<512xi32, #tpu.memory_space<vmem>>
    %dma_start3A_315 = arith.constant 0 : i32
    %dma_start3A_316 = arith.constant 0 : i32
    %dma_start3A_317 = tpu.memref_slice %arg25[%dma_start3A_315, %dma_start3A_316] : memref<100000x16xf32, #tpu.memory_space<hbm>> -> memref<100000x16xf32, #tpu.memory_space<hbm>>
    tpu.enqueue_indirect_dma source(%dma_start3A_317 : memref<100000x16xf32, #tpu.memory_space<hbm>>) target(%arg33 : memref<512x16xf32, #tpu.memory_space<vmem>>) offsets(%dma_start3A_314 : memref<512xi32, #tpu.memory_space<vmem>>) semaphore(%arg35 : memref<!tpu.dma_semaphore, #tpu.memory_space<semaphore_mem>>)
    %dma_wait3A_318 = arith.constant 21 : i32
    %dma_wait3A_319 = arith.constant 0 : i32
    %dma_wait3A_320 = tpu.memref_slice %arg30[%dma_wait3A_318, %dma_wait3A_319] : memref<26x512xi32, #tpu.memory_space<vmem>> -> memref<1x512xi32, #tpu.memory_space<vmem>>
    %dma_wait3A_321 = tpu.memref_squeeze %dma_wait3A_320 : memref<1x512xi32, #tpu.memory_space<vmem>> -> memref<512xi32, #tpu.memory_space<vmem>>
    %dma_wait3A_322 = arith.constant 0 : i32
    %dma_wait3A_323 = arith.constant 0 : i32
    %dma_wait3A_324 = tpu.memref_slice %arg24[%dma_wait3A_322, %dma_wait3A_323] : memref<100000x16xf32, #tpu.memory_space<hbm>> -> memref<100000x16xf32, #tpu.memory_space<hbm>>
    tpu.wait_indirect_dma semaphore(%arg36 : memref<!tpu.dma_semaphore, #tpu.memory_space<semaphore_mem>>) src(%dma_wait3A_324 : memref<100000x16xf32, #tpu.memory_space<hbm>>) dst(%arg34 : memref<512x16xf32, #tpu.memory_space<vmem>>)
    "tpu.region"() ({
      %run_scoped3A = tpu.sem_alloc : memref<!tpu.dma_semaphore, #tpu.memory_space<semaphore_mem>>
      %dma_start3A_374 = arith.constant 352 : i32
      %dma_start3A_375 = tpu.memref_slice %arg29[%multiple_of3A, %dma_start3A_374] : memref<16384x432xf32, #tpu.memory_space<hbm>> -> memref<512x16xf32, #tpu.memory_space<hbm>>
      %dma_start3A_376 = arith.constant 352 : i32
      %dma_start3A_377 = tpu.memref_slice %arg29[%multiple_of3A, %dma_start3A_376] : memref<16384x432xf32, #tpu.memory_space<hbm>> -> memref<512x16xf32, #tpu.memory_space<hbm>>
      tpu.enqueue_dma source(%arg34 : memref<512x16xf32, #tpu.memory_space<vmem>>) target(%dma_start3A_377 : memref<512x16xf32, #tpu.memory_space<hbm>>) target_semaphore(%run_scoped3A : memref<!tpu.dma_semaphore, #tpu.memory_space<semaphore_mem>>)
      %dma_wait3A_378 = arith.constant 352 : i32
      %dma_wait3A_379 = tpu.memref_slice %arg29[%multiple_of3A, %dma_wait3A_378] : memref<16384x432xf32, #tpu.memory_space<hbm>> -> memref<512x16xf32, #tpu.memory_space<hbm>>
      %dma_wait3A_380 = arith.constant 352 : i32
      %dma_wait3A_381 = tpu.memref_slice %arg29[%multiple_of3A, %dma_wait3A_380] : memref<16384x432xf32, #tpu.memory_space<hbm>> -> memref<512x16xf32, #tpu.memory_space<hbm>>
      tpu.wait_dma2 semaphore(%run_scoped3A : memref<!tpu.dma_semaphore, #tpu.memory_space<semaphore_mem>>) src(%arg34 : memref<512x16xf32, #tpu.memory_space<vmem>>) dst(%dma_wait3A_381 : memref<512x16xf32, #tpu.memory_space<hbm>>)
      tpu.yield
    }) : () -> ()
    %dma_start3A_325 = arith.constant 23 : i32
    %dma_start3A_326 = arith.constant 0 : i32
    %dma_start3A_327 = tpu.memref_slice %arg30[%dma_start3A_325, %dma_start3A_326] : memref<26x512xi32, #tpu.memory_space<vmem>> -> memref<1x512xi32, #tpu.memory_space<vmem>>
    %dma_start3A_328 = tpu.memref_squeeze %dma_start3A_327 : memref<1x512xi32, #tpu.memory_space<vmem>> -> memref<512xi32, #tpu.memory_space<vmem>>
    %dma_start3A_329 = arith.constant 0 : i32
    %dma_start3A_330 = arith.constant 0 : i32
    %dma_start3A_331 = tpu.memref_slice %arg26[%dma_start3A_329, %dma_start3A_330] : memref<100000x16xf32, #tpu.memory_space<hbm>> -> memref<100000x16xf32, #tpu.memory_space<hbm>>
    tpu.enqueue_indirect_dma source(%dma_start3A_331 : memref<100000x16xf32, #tpu.memory_space<hbm>>) target(%arg34 : memref<512x16xf32, #tpu.memory_space<vmem>>) offsets(%dma_start3A_328 : memref<512xi32, #tpu.memory_space<vmem>>) semaphore(%arg36 : memref<!tpu.dma_semaphore, #tpu.memory_space<semaphore_mem>>)
    %dma_wait3A_332 = arith.constant 22 : i32
    %dma_wait3A_333 = arith.constant 0 : i32
    %dma_wait3A_334 = tpu.memref_slice %arg30[%dma_wait3A_332, %dma_wait3A_333] : memref<26x512xi32, #tpu.memory_space<vmem>> -> memref<1x512xi32, #tpu.memory_space<vmem>>
    %dma_wait3A_335 = tpu.memref_squeeze %dma_wait3A_334 : memref<1x512xi32, #tpu.memory_space<vmem>> -> memref<512xi32, #tpu.memory_space<vmem>>
    %dma_wait3A_336 = arith.constant 0 : i32
    %dma_wait3A_337 = arith.constant 0 : i32
    %dma_wait3A_338 = tpu.memref_slice %arg25[%dma_wait3A_336, %dma_wait3A_337] : memref<100000x16xf32, #tpu.memory_space<hbm>> -> memref<100000x16xf32, #tpu.memory_space<hbm>>
    tpu.wait_indirect_dma semaphore(%arg35 : memref<!tpu.dma_semaphore, #tpu.memory_space<semaphore_mem>>) src(%dma_wait3A_338 : memref<100000x16xf32, #tpu.memory_space<hbm>>) dst(%arg33 : memref<512x16xf32, #tpu.memory_space<vmem>>)
    "tpu.region"() ({
      %run_scoped3A = tpu.sem_alloc : memref<!tpu.dma_semaphore, #tpu.memory_space<semaphore_mem>>
      %dma_start3A_374 = arith.constant 368 : i32
      %dma_start3A_375 = tpu.memref_slice %arg29[%multiple_of3A, %dma_start3A_374] : memref<16384x432xf32, #tpu.memory_space<hbm>> -> memref<512x16xf32, #tpu.memory_space<hbm>>
      %dma_start3A_376 = arith.constant 368 : i32
      %dma_start3A_377 = tpu.memref_slice %arg29[%multiple_of3A, %dma_start3A_376] : memref<16384x432xf32, #tpu.memory_space<hbm>> -> memref<512x16xf32, #tpu.memory_space<hbm>>
      tpu.enqueue_dma source(%arg33 : memref<512x16xf32, #tpu.memory_space<vmem>>) target(%dma_start3A_377 : memref<512x16xf32, #tpu.memory_space<hbm>>) target_semaphore(%run_scoped3A : memref<!tpu.dma_semaphore, #tpu.memory_space<semaphore_mem>>)
      %dma_wait3A_378 = arith.constant 368 : i32
      %dma_wait3A_379 = tpu.memref_slice %arg29[%multiple_of3A, %dma_wait3A_378] : memref<16384x432xf32, #tpu.memory_space<hbm>> -> memref<512x16xf32, #tpu.memory_space<hbm>>
      %dma_wait3A_380 = arith.constant 368 : i32
      %dma_wait3A_381 = tpu.memref_slice %arg29[%multiple_of3A, %dma_wait3A_380] : memref<16384x432xf32, #tpu.memory_space<hbm>> -> memref<512x16xf32, #tpu.memory_space<hbm>>
      tpu.wait_dma2 semaphore(%run_scoped3A : memref<!tpu.dma_semaphore, #tpu.memory_space<semaphore_mem>>) src(%arg33 : memref<512x16xf32, #tpu.memory_space<vmem>>) dst(%dma_wait3A_381 : memref<512x16xf32, #tpu.memory_space<hbm>>)
      tpu.yield
    }) : () -> ()
    %dma_start3A_339 = arith.constant 24 : i32
    %dma_start3A_340 = arith.constant 0 : i32
    %dma_start3A_341 = tpu.memref_slice %arg30[%dma_start3A_339, %dma_start3A_340] : memref<26x512xi32, #tpu.memory_space<vmem>> -> memref<1x512xi32, #tpu.memory_space<vmem>>
    %dma_start3A_342 = tpu.memref_squeeze %dma_start3A_341 : memref<1x512xi32, #tpu.memory_space<vmem>> -> memref<512xi32, #tpu.memory_space<vmem>>
    %dma_start3A_343 = arith.constant 0 : i32
    %dma_start3A_344 = arith.constant 0 : i32
    %dma_start3A_345 = tpu.memref_slice %arg27[%dma_start3A_343, %dma_start3A_344] : memref<100000x16xf32, #tpu.memory_space<hbm>> -> memref<100000x16xf32, #tpu.memory_space<hbm>>
    tpu.enqueue_indirect_dma source(%dma_start3A_345 : memref<100000x16xf32, #tpu.memory_space<hbm>>) target(%arg33 : memref<512x16xf32, #tpu.memory_space<vmem>>) offsets(%dma_start3A_342 : memref<512xi32, #tpu.memory_space<vmem>>) semaphore(%arg35 : memref<!tpu.dma_semaphore, #tpu.memory_space<semaphore_mem>>)
    %dma_wait3A_346 = arith.constant 23 : i32
    %dma_wait3A_347 = arith.constant 0 : i32
    %dma_wait3A_348 = tpu.memref_slice %arg30[%dma_wait3A_346, %dma_wait3A_347] : memref<26x512xi32, #tpu.memory_space<vmem>> -> memref<1x512xi32, #tpu.memory_space<vmem>>
    %dma_wait3A_349 = tpu.memref_squeeze %dma_wait3A_348 : memref<1x512xi32, #tpu.memory_space<vmem>> -> memref<512xi32, #tpu.memory_space<vmem>>
    %dma_wait3A_350 = arith.constant 0 : i32
    %dma_wait3A_351 = arith.constant 0 : i32
    %dma_wait3A_352 = tpu.memref_slice %arg26[%dma_wait3A_350, %dma_wait3A_351] : memref<100000x16xf32, #tpu.memory_space<hbm>> -> memref<100000x16xf32, #tpu.memory_space<hbm>>
    tpu.wait_indirect_dma semaphore(%arg36 : memref<!tpu.dma_semaphore, #tpu.memory_space<semaphore_mem>>) src(%dma_wait3A_352 : memref<100000x16xf32, #tpu.memory_space<hbm>>) dst(%arg34 : memref<512x16xf32, #tpu.memory_space<vmem>>)
    "tpu.region"() ({
      %run_scoped3A = tpu.sem_alloc : memref<!tpu.dma_semaphore, #tpu.memory_space<semaphore_mem>>
      %dma_start3A_374 = arith.constant 384 : i32
      %dma_start3A_375 = tpu.memref_slice %arg29[%multiple_of3A, %dma_start3A_374] : memref<16384x432xf32, #tpu.memory_space<hbm>> -> memref<512x16xf32, #tpu.memory_space<hbm>>
      %dma_start3A_376 = arith.constant 384 : i32
      %dma_start3A_377 = tpu.memref_slice %arg29[%multiple_of3A, %dma_start3A_376] : memref<16384x432xf32, #tpu.memory_space<hbm>> -> memref<512x16xf32, #tpu.memory_space<hbm>>
      tpu.enqueue_dma source(%arg34 : memref<512x16xf32, #tpu.memory_space<vmem>>) target(%dma_start3A_377 : memref<512x16xf32, #tpu.memory_space<hbm>>) target_semaphore(%run_scoped3A : memref<!tpu.dma_semaphore, #tpu.memory_space<semaphore_mem>>)
      %dma_wait3A_378 = arith.constant 384 : i32
      %dma_wait3A_379 = tpu.memref_slice %arg29[%multiple_of3A, %dma_wait3A_378] : memref<16384x432xf32, #tpu.memory_space<hbm>> -> memref<512x16xf32, #tpu.memory_space<hbm>>
      %dma_wait3A_380 = arith.constant 384 : i32
      %dma_wait3A_381 = tpu.memref_slice %arg29[%multiple_of3A, %dma_wait3A_380] : memref<16384x432xf32, #tpu.memory_space<hbm>> -> memref<512x16xf32, #tpu.memory_space<hbm>>
      tpu.wait_dma2 semaphore(%run_scoped3A : memref<!tpu.dma_semaphore, #tpu.memory_space<semaphore_mem>>) src(%arg34 : memref<512x16xf32, #tpu.memory_space<vmem>>) dst(%dma_wait3A_381 : memref<512x16xf32, #tpu.memory_space<hbm>>)
      tpu.yield
    }) : () -> ()
    %dma_start3A_353 = arith.constant 25 : i32
    %dma_start3A_354 = arith.constant 0 : i32
    %dma_start3A_355 = tpu.memref_slice %arg30[%dma_start3A_353, %dma_start3A_354] : memref<26x512xi32, #tpu.memory_space<vmem>> -> memref<1x512xi32, #tpu.memory_space<vmem>>
    %dma_start3A_356 = tpu.memref_squeeze %dma_start3A_355 : memref<1x512xi32, #tpu.memory_space<vmem>> -> memref<512xi32, #tpu.memory_space<vmem>>
    %dma_start3A_357 = arith.constant 0 : i32
    %dma_start3A_358 = arith.constant 0 : i32
    %dma_start3A_359 = tpu.memref_slice %arg28[%dma_start3A_357, %dma_start3A_358] : memref<100000x16xf32, #tpu.memory_space<hbm>> -> memref<100000x16xf32, #tpu.memory_space<hbm>>
    tpu.enqueue_indirect_dma source(%dma_start3A_359 : memref<100000x16xf32, #tpu.memory_space<hbm>>) target(%arg34 : memref<512x16xf32, #tpu.memory_space<vmem>>) offsets(%dma_start3A_356 : memref<512xi32, #tpu.memory_space<vmem>>) semaphore(%arg36 : memref<!tpu.dma_semaphore, #tpu.memory_space<semaphore_mem>>)
    %dma_wait3A_360 = arith.constant 24 : i32
    %dma_wait3A_361 = arith.constant 0 : i32
    %dma_wait3A_362 = tpu.memref_slice %arg30[%dma_wait3A_360, %dma_wait3A_361] : memref<26x512xi32, #tpu.memory_space<vmem>> -> memref<1x512xi32, #tpu.memory_space<vmem>>
    %dma_wait3A_363 = tpu.memref_squeeze %dma_wait3A_362 : memref<1x512xi32, #tpu.memory_space<vmem>> -> memref<512xi32, #tpu.memory_space<vmem>>
    %dma_wait3A_364 = arith.constant 0 : i32
    %dma_wait3A_365 = arith.constant 0 : i32
    %dma_wait3A_366 = tpu.memref_slice %arg27[%dma_wait3A_364, %dma_wait3A_365] : memref<100000x16xf32, #tpu.memory_space<hbm>> -> memref<100000x16xf32, #tpu.memory_space<hbm>>
    tpu.wait_indirect_dma semaphore(%arg35 : memref<!tpu.dma_semaphore, #tpu.memory_space<semaphore_mem>>) src(%dma_wait3A_366 : memref<100000x16xf32, #tpu.memory_space<hbm>>) dst(%arg33 : memref<512x16xf32, #tpu.memory_space<vmem>>)
    "tpu.region"() ({
      %run_scoped3A = tpu.sem_alloc : memref<!tpu.dma_semaphore, #tpu.memory_space<semaphore_mem>>
      %dma_start3A_374 = arith.constant 400 : i32
      %dma_start3A_375 = tpu.memref_slice %arg29[%multiple_of3A, %dma_start3A_374] : memref<16384x432xf32, #tpu.memory_space<hbm>> -> memref<512x16xf32, #tpu.memory_space<hbm>>
      %dma_start3A_376 = arith.constant 400 : i32
      %dma_start3A_377 = tpu.memref_slice %arg29[%multiple_of3A, %dma_start3A_376] : memref<16384x432xf32, #tpu.memory_space<hbm>> -> memref<512x16xf32, #tpu.memory_space<hbm>>
      tpu.enqueue_dma source(%arg33 : memref<512x16xf32, #tpu.memory_space<vmem>>) target(%dma_start3A_377 : memref<512x16xf32, #tpu.memory_space<hbm>>) target_semaphore(%run_scoped3A : memref<!tpu.dma_semaphore, #tpu.memory_space<semaphore_mem>>)
      %dma_wait3A_378 = arith.constant 400 : i32
      %dma_wait3A_379 = tpu.memref_slice %arg29[%multiple_of3A, %dma_wait3A_378] : memref<16384x432xf32, #tpu.memory_space<hbm>> -> memref<512x16xf32, #tpu.memory_space<hbm>>
      %dma_wait3A_380 = arith.constant 400 : i32
      %dma_wait3A_381 = tpu.memref_slice %arg29[%multiple_of3A, %dma_wait3A_380] : memref<16384x432xf32, #tpu.memory_space<hbm>> -> memref<512x16xf32, #tpu.memory_space<hbm>>
      tpu.wait_dma2 semaphore(%run_scoped3A : memref<!tpu.dma_semaphore, #tpu.memory_space<semaphore_mem>>) src(%arg33 : memref<512x16xf32, #tpu.memory_space<vmem>>) dst(%dma_wait3A_381 : memref<512x16xf32, #tpu.memory_space<hbm>>)
      tpu.yield
    }) : () -> ()
    %dma_wait3A_367 = arith.constant 25 : i32
    %dma_wait3A_368 = arith.constant 0 : i32
    %dma_wait3A_369 = tpu.memref_slice %arg30[%dma_wait3A_367, %dma_wait3A_368] : memref<26x512xi32, #tpu.memory_space<vmem>> -> memref<1x512xi32, #tpu.memory_space<vmem>>
    %dma_wait3A_370 = tpu.memref_squeeze %dma_wait3A_369 : memref<1x512xi32, #tpu.memory_space<vmem>> -> memref<512xi32, #tpu.memory_space<vmem>>
    %dma_wait3A_371 = arith.constant 0 : i32
    %dma_wait3A_372 = arith.constant 0 : i32
    %dma_wait3A_373 = tpu.memref_slice %arg28[%dma_wait3A_371, %dma_wait3A_372] : memref<100000x16xf32, #tpu.memory_space<hbm>> -> memref<100000x16xf32, #tpu.memory_space<hbm>>
    tpu.wait_indirect_dma semaphore(%arg36 : memref<!tpu.dma_semaphore, #tpu.memory_space<semaphore_mem>>) src(%dma_wait3A_373 : memref<100000x16xf32, #tpu.memory_space<hbm>>) dst(%arg34 : memref<512x16xf32, #tpu.memory_space<vmem>>)
    "tpu.region"() ({
      %run_scoped3A = tpu.sem_alloc : memref<!tpu.dma_semaphore, #tpu.memory_space<semaphore_mem>>
      %dma_start3A_374 = arith.constant 416 : i32
      %dma_start3A_375 = tpu.memref_slice %arg29[%multiple_of3A, %dma_start3A_374] : memref<16384x432xf32, #tpu.memory_space<hbm>> -> memref<512x16xf32, #tpu.memory_space<hbm>>
      %dma_start3A_376 = arith.constant 416 : i32
      %dma_start3A_377 = tpu.memref_slice %arg29[%multiple_of3A, %dma_start3A_376] : memref<16384x432xf32, #tpu.memory_space<hbm>> -> memref<512x16xf32, #tpu.memory_space<hbm>>
      tpu.enqueue_dma source(%arg34 : memref<512x16xf32, #tpu.memory_space<vmem>>) target(%dma_start3A_377 : memref<512x16xf32, #tpu.memory_space<hbm>>) target_semaphore(%run_scoped3A : memref<!tpu.dma_semaphore, #tpu.memory_space<semaphore_mem>>)
      %dma_wait3A_378 = arith.constant 416 : i32
      %dma_wait3A_379 = tpu.memref_slice %arg29[%multiple_of3A, %dma_wait3A_378] : memref<16384x432xf32, #tpu.memory_space<hbm>> -> memref<512x16xf32, #tpu.memory_space<hbm>>
      %dma_wait3A_380 = arith.constant 416 : i32
      %dma_wait3A_381 = tpu.memref_slice %arg29[%multiple_of3A, %dma_wait3A_380] : memref<16384x432xf32, #tpu.memory_space<hbm>> -> memref<512x16xf32, #tpu.memory_space<hbm>>
      tpu.wait_dma2 semaphore(%run_scoped3A : memref<!tpu.dma_semaphore, #tpu.memory_space<semaphore_mem>>) src(%arg34 : memref<512x16xf32, #tpu.memory_space<vmem>>) dst(%dma_wait3A_381 : memref<512x16xf32, #tpu.memory_space<hbm>>)
      tpu.yield
    }) : () -> ()
    return
  }
}

</mosaic_0001>

<sc_bundles>
// kernel: _encode.3.cloned.1.call-start
scs
__scs_entry_jumppad:
0x0: {  	(pc) =	sbr.rel $0x88, $3  }
0x1: {  	(tag) =	ssettag $0x0;
	lr =	simm.s32 $0x1  }
0x2: {  	[smem:$0x3F86] =	sst lr;
	_ =	strace $0xD0000000  }
0x3: {  	_ = 	snop  }
0x4: {  	_ = 	snop  }
0x5: {  	_ = 	snop  }
0x6: {  	_ = 	snop  }
0x7: {  	_ = 	snop  }
__scs_overlays_trampoline_lowered:
0x8: {  	[smem:$0x3F95] =	sst s0  }
0x9: {  	[smem:$0x3F96] =	sst s1  }
0xa: {  	[smem:$0x3F97] =	sst s2  }
0xb: {  	[smem:$0x3F98] =	sst s3  }
0xc: {  	[smem:$0x3F99] =	sst s4  }
0xd: {  	[smem:$0x3F9A] =	sst s5  }
0xe: {  	[smem:$0x3F9B] =	sst s6  }
0xf: {  	[smem:$0x3F9C] =	sst s7  }
0x10: {  	[smem:$0x3F9D] =	sst s8  }
0x11: {  	[smem:$0x3F9E] =	sst s9;
	s0 =	simm.s32 @!p0 $0x0  }
0x12: {  	s1 =	sld [smem:$0x3F84];
	s0 =	simm.s32 @p0 $0x1  }
0x13: {  	[smem:$0x3F9F] =	sst s0;
	s0 =	simm.s32 @!p1 $0x0  }
0x14: {  	s2 =	sld [smem:$0x3F83];
	s0 =	simm.s32 @p1 $0x1  }
0x15: {  	[smem:$0x3FA0] =	sst s0;
	s0 =	simm.s32 @!p2 $0x0  }
0x16: {  	s3 =	sld [smem:$0x3FDB];
	s0 =	simm.s32 @p2 $0x1  }
0x17: {  	s4 =	simm.s32 $0x1BF5;
	[smem:$0x3FA2] =	sst s0  }
0x18: {  	s0 =	sld [smem:$0x3F85];
	_ =	swait.ge [sflag:s4], $0x0  }
0x19: {  	s7 =	sld [smem:$0x3F86]  }
0x1a: {  	s8 =	sadd.s32 $0xFFFFE003, lr  }
0x1b: {  	s9 =	sadd.s32 $0xFFFFFEF7, lr;
	s5 =	simm.s32 $0xFFFFFFFF;
	p2 =	slt.u32 s8, $0xFFFFF086  }
0x1c: {  	p1 =	slt.u32 s9, $0xF7A;
	s5 =	simm.s32 @!p2 $0x0  }
0x1d: {  	s5 =	simm.s32 @p1 $0x1;
	p0 =	seq.s32 s7, s2  }
0x1e: {  	s7 =	smul.u32 @!p0 $0xF7A, s2;
	p2 =	seq.s32 @!p0 s5, $0x0  }
0x1f: {  	s9 =	smul.u32 $0xF7A, s1;
	s8 =	simm.s32 @!p0 $0x1BF5;
	p2 =	por !p2, p0  }
0x20: {  	[sflag:s8] =	ssyncset.s32 @!p0 $0xFFFFF086;
	s6 =	sadd.s32 @!p0 s3, s7;
	s7 =	simm.s32 @!p0 $0x108  }
0x21: {  	s3 =	sadd.s32 s3, s9;
	s6 =	sadd.s32 @!p0 $0x88, s6;
	s7 =	simm.s32 @p2 $0x1082  }
0x22: {  	[simem:s7], [sflag:s8] =	dma.local @!p0 [hbm:s6], $0xF7A  }
0x23: {  	s9 =	sor.u32 $0xD0000000, s2;
	s6 =	simm.s32 $0x108;
	_ =	swait.ge @!p0 [sflag:s8], $0x0  }
0x24: {  	s3 =	sadd.s32 $0x88, s3;
	s6 =	simm.s32 @!p1 $0x1082;
	[sflag:s4] =	ssyncset.s32 $0xFFFFF086  }
0x25: {  	[simem:s6], [sflag:s4] =	dma.local [hbm:s3], $0xF7A  }
0x26: {  	[smem:$0x3F86] =	sst s1;
	(tag) =	ssettag s2;
	_ =	strace s9  }
0x27: {  	s1 =	sld [smem:$0x3F96]  }
0x28: {  	s2 =	sld [smem:$0x3F97]  }
0x29: {  	s4 =	sld [smem:$0x3F99]  }
0x2a: {  	p0 =	seq.s32 s5, $0x0;
	s5 =	sld [smem:$0x3F9A]  }
0x2b: {  	s6 =	sld [smem:$0x3F9B]  }
0x2c: {  	s7 =	sld [smem:$0x3F9C]  }
0x2d: {  	s3 =	simm.s32 $0x108;
	s8 =	sld [smem:$0x3F9D]  }
0x2e: {  	s3 =	simm.s32 @!p0 $0x1082;
	s9 =	sld [smem:$0x3F9E]  }
0x2f: {  	lr =	sadd.s32 s0, s3;
	s0 =	sld [smem:$0x3F95]  }
0x30: {  	s3 =	sld [smem:$0x3F98]  }
0x31: {  	[smem:$0x3FA1] =	sst s10  }
0x32: {  	s10 =	sld [smem:$0x3F9F];
	_ =	sdelay $0x3  }
0x33: {  	p0 =	seq.s32 s10, $0x1;
	s10 =	sld [smem:$0x3FA1];
	_ =	sdelay $0x3  }
0x34: {  	[smem:$0x3FA1] =	sst s10  }
0x35: {  	s10 =	sld [smem:$0x3FA0];
	_ =	sdelay $0x3  }
0x36: {  	p1 =	seq.s32 s10, $0x1;
	s10 =	sld [smem:$0x3FA1];
	_ =	sdelay $0x3  }
0x37: {  	[smem:$0x3FA1] =	sst s10  }
0x38: {  	s10 =	sld [smem:$0x3FA2]  }
0x39: {  	_ = 	snop;
	(pc) =	sbr.ind lr, $3  }
0x3a: {  	_ = 	snop  }
0x3b: {  	_ = 	snop  }
0x3c: {  	p2 =	seq.s32 s10, $0x1;
	s10 =	sld [smem:$0x3FA1]  }
0x3d: {  	_ =	shalt  }
0x3e: {  	_ =	shalt  }
0x3f: {  	_ =	shalt  }
0x40: {  	_ =	shalt  }
0x41: {  	_ =	shalt  }
0x42: {  	_ =	shalt  }
0x43: {  	_ =	shalt  }
0x44: {  	_ =	shalt  }
0x45: {  	_ =	shalt  }
0x46: {  	_ =	shalt  }
0x47: {  	_ =	shalt  }
0x48: {  	_ =	shalt  }
0x49: {  	_ =	shalt  }
0x4a: {  	_ =	shalt  }
0x4b: {  	_ =	shalt  }
0x4c: {  	_ =	shalt  }
0x4d: {  	_ =	shalt  }
0x4e: {  	_ =	shalt  }
0x4f: {  	_ =	shalt  }
0x50: {  	_ =	shalt  }
0x51: {  	_ =	shalt  }
0x52: {  	_ =	shalt  }
0x53: {  	_ =	shalt  }
0x54: {  	_ =	shalt  }
0x55: {  	_ =	shalt  }
0x56: {  	_ =	shalt  }
0x57: {  	_ =	shalt  }
0x58: {  	_ =	shalt  }
0x59: {  	_ =	shalt  }
0x5a: {  	_ =	shalt  }
0x5b: {  	_ =	shalt  }
0x5c: {  	_ =	shalt  }
0x5d: {  	_ =	shalt  }
0x5e: {  	_ =	shalt  }
0x5f: {  	_ =	shalt  }
0x60: {  	_ =	shalt  }
0x61: {  	_ =	shalt  }
0x62: {  	_ =	shalt  }
0x63: {  	_ =	shalt  }
0x64: {  	_ =	shalt  }
0x65: {  	_ =	shalt  }
0x66: {  	_ =	shalt  }
0x67: {  	_ =	shalt  }
0x68: {  	_ =	shalt  }
0x69: {  	_ =	shalt  }
0x6a: {  	_ =	shalt  }
0x6b: {  	_ =	shalt  }
0x6c: {  	_ =	shalt  }
0x6d: {  	_ =	shalt  }
0x6e: {  	_ =	shalt  }
0x6f: {  	_ =	shalt  }
0x70: {  	_ =	shalt  }
0x71: {  	_ =	shalt  }
0x72: {  	_ =	shalt  }
0x73: {  	_ =	shalt  }
0x74: {  	_ =	shalt  }
0x75: {  	_ =	shalt  }
0x76: {  	_ =	shalt  }
0x77: {  	_ =	shalt  }
0x78: {  	_ =	shalt  }
0x79: {  	_ =	shalt  }
0x7a: {  	_ =	shalt  }
0x7b: {  	_ =	shalt  }
0x7c: {  	_ =	shalt  }
0x7d: {  	_ =	shalt  }
0x7e: {  	_ =	shalt  }
0x7f: {  	_ =	shalt  }
0x80: {  	_ =	shalt  }
0x81: {  	_ =	shalt  }
0x82: {  	_ =	shalt  }
0x83: {  	_ =	shalt  }
0x84: {  	_ =	shalt  }
0x85: {  	_ =	shalt  }
0x86: {  	_ =	shalt  }
0x87: {  	_ =	shalt  }
.Lfunc_end0:
.L_simem_size_0:
called_computation_lowered:
.L_overlay_start_0:
0x88: {  	s2 =	sld [smem:$0x3FD9]  }
0x89: {  	s3 =	sld [smem:$0x3FFE];
	_ =	sdelay $0x1  }
0x8a: {  	s1 =	srdreg.scid  }
0x8b: {  	s0 =	sand.u32 $0x1, s1  }
0x8c: {  	s17 =	sshll.u32 s0, $0xA;
	s2 =	sadd.s32 s3, s2  }
0x8d: {  	s2 =	sadd.s32 s2, s17  }
0x8e: {  	[smem:$0x3FAD] =	sst s2  }
0x8f: {  	_ = 	snop  }
0x90: {  	s2 =	sld [smem:$0x3FD0];
	(tm) =	ssettm $0x1  }
0x91: {  	s18 =	sld [smem:$0x3FFB];
	_ =	sdelay $0x3  }
0x92: {  	_ =	strace s18  }
0x93: {  	s3 =	sld [smem:$0x3FFC];
	_ =	sdelay $0x3  }
0x94: {  	_ =	strace s3  }
0x95: {  	s3 =	sld [smem:$0x3FFD];
	_ =	sdelay $0x3  }
0x96: {  	_ =	strace s3  }
0x97: {  	_ =	strace $0x8FFFFFFF  }
0x98: {  	s19 =	sld [smem:$0x3FDB];
	_ =	sdelay $0x1  }
0x99: {  	s4 =	simm.s32 $_scs_section_size  }
0x9a: {  	s5 =	simm.s32 $_size__tile_overlayer_lowered;
	s6 =	simm.s32 $_tile_overlayer_lowered  }
0x9b: {  	s22 =	simm.s32 $0x1BFF;
	s21 =	sshll.u32 s6, $0x1;
	s3 =	sadd.s32 s4, s19  }
0x9c: {  	s7 =	simm.s32 $0x0;
	s20 =	sshll.u32 s5, $0x1;
	s5 =	sadd.s32 s21, s3  }
0x9d: {  	[timem:s7], [sflag:s22] =	dma.local [hbm:s5], s20  }
0x9e: {  	_ =	swait.ge [sflag:s22], s20  }
0x9f: {  	s4 =	ssub.s32 $0x0, s20;
	[sflag:s22] =	ssyncset.done $0x0  }
0xa0: {  	[sflag:s22] =	ssyncadd.s32 s4;
	_ =	sdelay $0x1  }
0xa1: {  	s23 =	simm.s32 $0x1B8B  }
0xa2: {  	_ =	swait.ge [sflag:s23], $0x1  }
0xa3: {  	[sflag:s23] =	ssyncset.done $0x0  }
0xa4: {  	s25 =	simm.s32 $0x1B8E;
	s24 =	sld [smem:$0x3FFE];
	[sflag:s23] =	ssyncadd.s32 $0xFFFFFFFF  }
0xa5: {  	s26 =	simm.s32 $execute0_lowered;
	[smem:$0x3FD2] =	sst s25  }
0xa6: {  	s5 =	sshll.u32 s26, $0x1;
	_ =	strace $0x80000046;
	[dreg:$0x1] =	wrdreg $0xFFFFFFFF  }
0xa7: {  	s28 =	simm.s32 $_size_execute0_lowered;
	s3 =	sadd.s32 s3, s5;
	[dreg:$0x0] =	wrdreg $0x0  }
0xa8: {  	s5 =	sshll.u32 s28, $0x1;
	[dreg:$0x2] =	wrdreg s3  }
0xa9: {  	[dreg:$0x3] =	wrdreg s5  }
0xaa: {  	[dreg:$0x4] =	wrdreg $0xC0  }
0xab: {  	_ =	task [dreg:s7], $0x5FFFF  }
0xac: {  	[dreg:$0x1] =	wrdreg $0xFFFFFFFF  }
0xad: {  	[dreg:$0x0] =	wrdreg $0x60  }
0xae: {  	[dreg:$0x2] =	wrdreg s24  }
0xaf: {  	[dreg:$0x3] =	wrdreg s2  }
0xb0: {  	[dreg:$0x4] =	wrdreg $0x9  }
0xb1: {  	_ =	task.clear_ibuf [dreg:s7], $0x5FFFF;
	_ =	strace $0x90000046  }
0xb2: {  	s29 =	simm.s32 $0x9;
	_ =	strace $0x80000048  }
0xb3: {  	_ =	swait.ge [sflag:s29], $0x1  }
0xb4: {  	[sflag:s29] =	ssyncadd.s32 $0xFFFFFFFF  }
0xb5: {  	_ =	strace $0x90000048  }
0xb6: {  	_ =	sfence  }
0xb7: {  	s30 =	sld [smem:$0x0];
	_ =	sdelay $0x2  }
0xb8: {  	s31 =	sshll.u32 s1, $0xD;
	s1 =	sshrl.u32 s1, $0x2  }
0xb9: {  	s3 =	sand.u32 $0x4000, s31;
	s1 =	sadd.s32 s1, s30  }
0xba: {  	s0 =	sor.u32 s3, s0;
	s1 =	sshll.u32 s1, $0x11  }
0xbb: {  	s0 =	sor.u32 s1, s0  }
0xbc: {  	s0 =	sadd.s32 $0x8F2B, s0  }
0xbd: {  	[sflag:s0] =	ssyncadd.remote.s32 $0x1  }
0xbe: {  	_ =	sfence.sel $0xFFFF  }
0xbf: {  	[dreg:$0x0] =	wrdreg $0xFFFFFFFF;
	(pc) =	sbr.abs _section_cstart, $3  }
0xc0: {  	[dreg:$0x1] =	wrdreg $0xFFFFFFFF  }
0xc1: {  	_ =	task.clear_ibuf [dreg:s7], $0x2FFFF;
	_ =	strace $0x9FFFFFFF  }
0xc2: {  	(tm) =	ssettm $0x7FFFFFFF  }
0xc3: {  	_ =	shalt  }
tec
execute0_lowered:
.L_overlay_start_1:
0x0: {  	(tag) =	ssettag $0x1  }
0x1: {  	s0 =	rddreg [dreg:$0x0]  }
0x2: {  	s1 =	rddreg [dreg:$0x1];
	s2 =	simm.s32 $0x0  }
0x3: {  	[smem:$0x7FF] =	sst s2;
	s6 =	sadd.s32 $0x502E00, s0  }
0x4: {  	s7 =	sadd.s32 $0x43F600, s0;
	_ =	strace $0x80000047;
	[dreg:$0x3] =	wrdreg s6  }
0x5: {  	s8 =	sadd.s32 $0x470400, s0;
	[dreg:$0x4] =	wrdreg s7  }
0x6: {  	s9 =	sadd.s32 $0x40E800, s0;
	[dreg:$0x5] =	wrdreg s8  }
0x7: {  	s10 =	sadd.s32 $0x3DDA00, s0;
	[dreg:$0x6] =	wrdreg s9  }
0x8: {  	s11 =	sadd.s32 $0x37BE00, s0;
	[dreg:$0x7] =	wrdreg s10  }
0x9: {  	v0 =	vimm.s32 $0x1800;
	vm11 =	vcmask $0xF00;
	s12 =	sadd.s32 $0x31A200, s0;
	[dreg:$0x8] =	wrdreg s11  }
0xa: {  	vm10 =	vcmask $0x1310;
	v1 =	vimm.s32 $0x1801;
	vm9 =	vcmask $0x1714;
	s4 =	sadd.s32 $0x2E9400, s0;
	[dreg:$0x9] =	wrdreg s12  }
0xb: {  	vm8 =	vcmask $0x1B18;
	vm7 =	vcmask $0x1F1C;
	vm5 =	vcmask $0x2320;
	s14 =	sadd.s32 $0x2B8600, s0;
	[dreg:$0xa] =	wrdreg s4  }
0xc: {  	vm2 =	vcmask $0x2724;
	vm3 =	vcmask $0x2B28;
	vm4 =	vcmask $0x2F2C;
	s5 =	sadd.s32 $0x287800, s0;
	[dreg:$0xb] =	wrdreg s14  }
0xd: {  	vm1 =	vcmask $0x3330;
	vm0 =	vcmask $0x3734;
	vm12 =	vcmask $0x300;
	s16 =	sadd.s32 $0x4A1200, s0;
	[dreg:$0xc] =	wrdreg s5  }
0xe: {  	vm6 =	vcmask $0x3B38;
	v2 =	vimm.s32 $0x1802;
	v3 =	vimm.s32 $0x1803;
	s17 =	sadd.s32 $0x256A00, s0;
	[dreg:$0xd] =	wrdreg s16  }
0xf: {  	v4 =	vimm.s32 $0x1804;
	v7 =	vimm.s32 $0x1806;
	v8 =	vimm.s32 $0x1807;
	s18 =	sadd.s32 $0x4D2000, s0;
	[dreg:$0xe] =	wrdreg s17  }
0x10: {  	v0 =	vsel vm11, $0x0, v0;
	v1 =	vsel vm11, $0x1, v1;
	s19 =	sadd.s32 $0x225C00, s0;
	v2 =	vsel vm11, $0x2, v2;
	[dreg:$0xf] =	wrdreg s18  }
0x11: {  	s20 =	sadd.s32 $0x34B000, s0;
	v7 =	vsel vm11, $0x6, v7;
	v8 =	vsel vm11, $0x7, v8;
	v0 =	vsel vm10, $0x200, v0;
	[dreg:$0x10] =	wrdreg s19  }
0x12: {  	s21 =	sadd.s32 $0x1F4E00, s0;
	v1 =	vsel vm10, $0x201, v1;
	[dreg:$0x11] =	wrdreg s20;
	v2 =	vsel vm10, $0x202, v2;
	v7 =	vsel vm10, $0x206, v7  }
0x13: {  	s13 =	srdreg.scid;
	s22 =	sadd.s32 $0x628200, s0;
	[dreg:$0x12] =	wrdreg s21;
	v8 =	vsel vm10, $0x207, v8;
	v0 =	vsel vm9, $0x400, v0;
	v1 =	vsel vm9, $0x401, v1  }
0x14: {  	s3 =	stileid.u32;
	s25 =	sadd.s32 $0x1C4000, s0;
	[dreg:$0x13] =	wrdreg s22;
	v5 =	vsel vm9, $0x402, v2;
	v2 =	vsel vm11, $0x3, v3;
	v3 =	vsel vm11, $0x4, v4  }
0x15: {  	s2 =	sand.u32 $0x1, s13;
	s26 =	sadd.s32 $0x5F7400, s0;
	[dreg:$0x14] =	wrdreg s25;
	v4 =	vimm.s32 $0x0;
	v7 =	vsel vm9, $0x406, v7;
	v8 =	vsel vm9, $0x407, v8  }
0x16: {  	s3 =	sshll.u32 s3, $0xA;
	[dreg:$0x15] =	wrdreg s26;
	s5 =	sadd.s32 $0x5C6600, s0;
	v0 =	vsel vm8, $0x600, v0;
	v1 =	vsel vm8, $0x601, v1;
	v6 =	vsel vm10, $0x203, v2  }
0x17: {  	s6 =	sadd.s32 $0x595800, s0;
	s8 =	sadd.s32 $0x564A00, s0;
	[dreg:$0x16] =	wrdreg s5;
	v3 =	vsel vm10, $0x204, v3;
	v2 =	vsel vm12, $0x3, v4;
	v5 =	vsel vm8, $0x602, v5  }
0x18: {  	s15 =	sshll.u32 s2, $0x9;
	s9 =	sadd.s32 $0x533C00, s0;
	[dreg:$0x17] =	wrdreg s6;
	v7 =	vsel vm8, $0x606, v7;
	v8 =	vsel vm8, $0x607, v8;
	v0 =	vsel vm7, $0x800, v0  }
0x19: {  	s2 =	ssub.s32 $0x2, s2;
	s10 =	sadd.s32 $0x3ACC00, s0;
	[dreg:$0x18] =	wrdreg s8;
	v1 =	vsel vm7, $0x801, v1;
	v4 =	vsel vm9, $0x403, v6;
	v3 =	vsel vm9, $0x404, v3  }
0x1a: {  	s11 =	sadd.s32 $0x193200, s0;
	s3 =	sor.u32 s15, s3;
	[dreg:$0x19] =	wrdreg s9;
	v5 =	vsel vm7, $0x802, v5;
	v7 =	vsel vm7, $0x806, v7;
	v8 =	vsel vm7, $0x807, v8  }
0x1b: {  	s23 =	sshrl.u32 s2, $0x1;
	[dreg:$0x1a] =	wrdreg s10;
	s24 =	smul.u32 $0x36, s3;
	v0 =	vsel vm5, $0xA00, v0;
	v1 =	vsel vm5, $0xA01, v1;
	v4 =	vsel vm8, $0x603, v4  }
0x1c: {  	[dreg:$0x1b] =	wrdreg s11;
	s2 =	ssub.s32 s2, s23;
	v3 =	vsel vm8, $0x604, v3;
	v5 =	vsel vm5, $0xA02, v5;
	v7 =	vsel vm5, $0xA06, v7  }
0x1d: {  	s7 =	sshrl.u32 s3, $0x3;
	s14 =	smax.u32 s2, $0x1;
	s22 =	sadd.s32 s1, s24;
	v8 =	vsel vm5, $0xA07, v8;
	v0 =	vsel vm2, $0xC00, v0;
	v3 =	vsel vm7, $0x804, v3  }
0x1e: {  	s1 =	sadd.s32 s7, s0;
	s0 =	sadd.s32 $0x659000, s0;
	[dreg:$0x1f] =	wrdreg s14;
	v1 =	vsel vm2, $0xC01, v1;
	v4 =	vsel vm7, $0x803, v4;
	v3 =	vsel vm5, $0xA04, v3  }
0x1f: {  	[dreg:$0x1c] =	wrdreg s0;
	s12 =	sadd.s32 $0x13000, s1;
	v5 =	vsel vm2, $0xC02, v5;
	v7 =	vsel vm2, $0xC06, v7;
	v3 =	vsel vm2, $0xC04, v3  }
0x20: {  	s30 =	simm.s32 $0x200;
	s13 =	sadd.s32 $0xC800, s1;
	v8 =	vsel vm2, $0xC07, v8;
	[dreg:$0x1d] =	wrdreg s12;
	v5 =	vsel vm3, $0xE02, v5;
	v3 =	vsel vm3, $0xE04, v3  }
0x21: {  	s31 =	simm.s32 $0x4000;
	s15 =	sadd.s32 $0x2, s22;
	v0 =	vsel vm3, $0xE00, v0;
	[dreg:$0x1e] =	wrdreg s13;
	v5 =	vsel vm4, $0x1002, v5;
	v3 =	vsel vm4, $0x1004, v3  }
0x22: {  	s4 =	simm.s32 $0x1B0;
	s16 =	sadd.s32 $0x4, s22;
	v1 =	vsel vm3, $0xE01, v1;
	[smem:$0x7F3] =	sst s15;
	v5 =	vsel vm1, $0x1202, v5;
	v3 =	vsel vm1, $0x1204, v3  }
0x23: {  	s9 =	simm.s32 $0x3400;
	s17 =	sadd.s32 $0x6, s22;
	[smem:$0x7F4] =	sst s16;
	v4 =	vsel vm5, $0xA03, v4;
	v5 =	vsel vm0, $0x1402, v5;
	v6 =	vsel vm0, $0x1404, v3  }
0x24: {  	s5 =	simm.s32 $0x1;
	s18 =	sadd.s32 $0x8, s22;
	[smem:$0x7F5] =	sst s17;
	v3 =	vsel vm6, $0x1602, v5;
	v5 =	vsel vm6, $0x1604, v6;
	v6 =	vimm.s32 $0x1805  }
0x25: {  	s6 =	simm.s32 $0x2;
	s19 =	sadd.s32 $0xA, s22;
	[smem:$0x7F6] =	sst s18;
	v7 =	vsel vm3, $0xE06, v7;
	v8 =	vsel vm3, $0xE07, v8;
	v6 =	vsel vm11, $0x5, v6  }
0x26: {  	s3 =	simm.s32 $0x10;
	s20 =	sadd.s32 $0xC, s22;
	[smem:$0x7F7] =	sst s19;
	v0 =	vsel vm4, $0x1000, v0;
	v1 =	vsel vm4, $0x1001, v1;
	v6 =	vsel vm10, $0x205, v6  }
0x27: {  	s2 =	simm.s32 $0x8E00;
	s21 =	sadd.s32 $0xE, s22;
	[smem:$0x7F8] =	sst s20;
	v4 =	vsel vm2, $0xC03, v4;
	v7 =	vsel vm4, $0x1006, v7;
	v6 =	vsel vm9, $0x405, v6  }
0x28: {  	s7 =	simm.s32 $0x0;
	s23 =	sadd.s32 $0x10, s22;
	[smem:$0x7F9] =	sst s21;
	v8 =	vsel vm4, $0x1007, v8;
	v0 =	vsel vm1, $0x1200, v0;
	v6 =	vsel vm8, $0x605, v6  }
0x29: {  	s24 =	sadd.s32 $0x12, s22;
	s25 =	sadd.s32 $0x14, s22;
	[smem:$0x7FA] =	sst s23;
	v1 =	vsel vm1, $0x1201, v1;
	v4 =	vsel vm3, $0xE03, v4;
	v6 =	vsel vm7, $0x805, v6  }
0x2a: {  	s26 =	sadd.s32 $0x16, s22;
	s14 =	sadd.s32 $0x1A, s22;
	[smem:$0x7FB] =	sst s24;
	v7 =	vsel vm1, $0x1206, v7;
	v8 =	vsel vm1, $0x1207, v8;
	v6 =	vsel vm5, $0xA05, v6  }
0x2b: {  	s28 =	sadd.s32 $0x32, s22;
	s29 =	sadd.s32 $0x34, s22;
	[smem:$0x7FC] =	sst s25;
	v0 =	vsel vm0, $0x1400, v0;
	v1 =	vsel vm0, $0x1401, v1;
	v6 =	vsel vm2, $0xC05, v6  }
0x2c: {  	s0 =	simm.s32 $0x3;
	s1 =	simm.s32 $0x6E00;
	[smem:$0x7FD] =	sst s26;
	v4 =	vsel vm4, $0x1003, v4;
	v7 =	vsel vm0, $0x1406, v7;
	v6 =	vsel vm3, $0xE05, v6  }
0x2d: {  	s13 =	sadd.s32 $0x18, s22;
	s15 =	sadd.s32 $0x1C, s22;
	s16 =	sadd.s32 $0x1E, s22;
	v8 =	vsel vm0, $0x1407, v8;
	v0 =	vsel vm6, $0x1600, v0;
	v6 =	vsel vm4, $0x1005, v6  }
0x2e: {  	s17 =	sadd.s32 $0x20, s22;
	s18 =	sadd.s32 $0x22, s22;
	s19 =	sadd.s32 $0x24, s22;
	v1 =	vsel vm6, $0x1601, v1;
	v4 =	vsel vm1, $0x1203, v4;
	v6 =	vsel vm1, $0x1205, v6  }
0x2f: {  	s20 =	sadd.s32 $0x26, s22;
	s21 =	sadd.s32 $0x28, s22;
	s23 =	sadd.s32 $0x2A, s22;
	v7 =	vsel vm6, $0x1606, v7;
	v4 =	vsel vm0, $0x1403, v4;
	v6 =	vsel vm0, $0x1405, v6  }
0x30: {  	s24 =	sadd.s32 $0x2C, s22;
	s25 =	sadd.s32 $0x2E, s22;
	s26 =	sadd.s32 $0x30, s22;
	v8 =	vsel vm6, $0x1607, v8;
	v4 =	vsel vm6, $0x1603, v4;
	v6 =	vsel vm6, $0x1605, v6  }
.LBB2_1:
0x31: {  	s10 =	simm.s32 $0x0;
	s8 =	rddreg [dreg:$0x1d];
	s11 =	simm.s32 $0x0  }
0x32: {  	[tilespmem:s10], [sflag:$0x3] =	stream.strided.gather [hbm4b:s8+s30], $0x3400, s31, s30, $0x38;
	[tilespmem:$0xAE00] =	vst v63  }
0x33: {  	v9 =	vmov s11;
	_ =	swait.ge [sflag:s0], $0x3400  }
0x34: {  	v9 =	vshrl.u32 v9, $0x3;
	[sflag:s0] =	ssyncset.done $0x0  }
0x35: {  	s12 =	rddreg [dreg:$0x1e];
	v9 =	vshll.u32 v9, v2;
	[sflag:s0] =	ssyncadd.s32 $0xFFFFCC00  }
0x36: {  	v9 =	vbroadcast v9, $0x0;
	[tilespmem:s9], [sflag:$0x3] =	stream.strided.gather [hbm4b:s12+s30], $0x1A00, s31, s30, $0x38;
	[tilespmem:$0xAE00] =	vst v63  }
0x37: {  	_ =	swait.ge [sflag:s0], $0x1A00  }
0x38: {  	v9 =	vor.u32 v0, v9;
	[sflag:s0] =	ssyncset.done $0x0  }
0x39: {  	s12 =	simm.s32 $0x1;
	s11 =	rddreg [dreg:$0x3];
	[sflag:s0] =	ssyncadd.s32 $0xFFFFE600  }
0x3a: {  	[tilespmem:s1], [sflag:$0x1] =	stream.indirect.gather [hbm4b:s11+s30], $0x10, s10, s30, $0xb8;
	[tilespmem:$0xAE00] =	vst v63  }
0x3b: {  	v10 =	vmov s12;
	s10 =	rddreg [dreg:$0xf]  }
0x3c: {  	v10 =	vshrl.u32 v10, $0x3;
	[tilespmem:s2], [sflag:$0x2] =	stream.indirect.gather [hbm4b:s10+s30], $0x10, s30, s30, $0xb8;
	[tilespmem:$0xAE00] =	vst v63  }
0x3d: {  	v10 =	vshll.u32 v10, v2;
	v9 =	vld.idx.msk [tilespmem:v9+s9+$0x0], $0xffff  }
0x3e: {  	v10 =	vbroadcast v10, $0x0;
	_ =	sdelay $0x1  }
0x3f: {  	v10 =	vadd.s32 v1, v10;
	_ =	sdelay $0x1  }
0x40: {  	s11 =	simm.s32 $0x2;
	v9 =	vcvt.s32.f32 v9  }
0x41: {  	s8 =	simm.s32 $0x4E80;
	v11 =	vmov s11  }
0x42: {  	[tilespmem:s8+$0xFFFFFF80] =	vst v9;
	v9 =	vshrl.u32 v11, $0x3  }
0x43: {  	v10 =	vld.idx.msk [tilespmem:v10+s9+$0x0], $0xffff;
	v9 =	vshll.u32 v9, v2  }
0x44: {  	v9 =	vbroadcast v9, $0x0;
	_ =	sdelay $0x1  }
0x45: {  	v9 =	vadd.s32 v3, v9;
	_ =	sdelay $0x1  }
0x46: {  	s12 =	simm.s32 $0x3;
	v10 =	vcvt.s32.f32 v10  }
0x47: {  	v11 =	vmov s12  }
0x48: {  	[tilespmem:s8+$0xFFFFFF90] =	vst v10;
	v10 =	vshrl.u32 v11, $0x3  }
0x49: {  	v9 =	vld.idx.msk [tilespmem:v9+s9+$0x0], $0xffff;
	v10 =	vshll.u32 v10, v2  }
0x4a: {  	v10 =	vbroadcast v10, $0x0;
	_ =	sdelay $0x1  }
0x4b: {  	v10 =	vadd.s32 v4, v10;
	_ =	sdelay $0x1  }
0x4c: {  	s11 =	simm.s32 $0x4;
	v9 =	vcvt.s32.f32 v9  }
0x4d: {  	v11 =	vmov s11  }
0x4e: {  	[tilespmem:s8+$0xFFFFFFA0] =	vst v9;
	v9 =	vshrl.u32 v11, $0x3  }
0x4f: {  	v10 =	vld.idx.msk [tilespmem:v10+s9+$0x0], $0xffff;
	v9 =	vshll.u32 v9, v2  }
0x50: {  	v9 =	vbroadcast v9, $0x0;
	_ =	sdelay $0x1  }
0x51: {  	v9 =	vadd.s32 v5, v9;
	_ =	sdelay $0x1  }
0x52: {  	s12 =	simm.s32 $0x5;
	v10 =	vcvt.s32.f32 v10  }
0x53: {  	v11 =	vmov s12  }
0x54: {  	[tilespmem:s8+$0xFFFFFFB0] =	vst v10;
	v10 =	vshrl.u32 v11, $0x3  }
0x55: {  	v9 =	vld.idx.msk [tilespmem:v9+s9+$0x0], $0xffff;
	v10 =	vshll.u32 v10, v2  }
0x56: {  	v10 =	vbroadcast v10, $0x0;
	_ =	sdelay $0x1  }
0x57: {  	v10 =	vadd.s32 v6, v10;
	_ =	sdelay $0x1  }
0x58: {  	s11 =	simm.s32 $0x6;
	v9 =	vcvt.s32.f32 v9  }
0x59: {  	v11 =	vmov s11  }
0x5a: {  	[tilespmem:s8+$0xFFFFFFC0] =	vst v9;
	v9 =	vshrl.u32 v11, $0x3  }
0x5b: {  	v10 =	vld.idx.msk [tilespmem:v10+s9+$0x0], $0xffff;
	v9 =	vshll.u32 v9, v2  }
0x5c: {  	v9 =	vbroadcast v9, $0x0;
	_ =	sdelay $0x1  }
0x5d: {  	v9 =	vadd.s32 v7, v9;
	_ =	sdelay $0x1  }
0x5e: {  	s12 =	simm.s32 $0x7;
	v10 =	vcvt.s32.f32 v10  }
0x5f: {  	v11 =	vmov s12  }
0x60: {  	[tilespmem:s8+$0xFFFFFFD0] =	vst v10;
	v10 =	vshrl.u32 v11, $0x3  }
0x61: {  	v9 =	vld.idx.msk [tilespmem:v9+s9+$0x0], $0xffff;
	v10 =	vshll.u32 v10, v2  }
0x62: {  	v10 =	vbroadcast v10, $0x0;
	_ =	sdelay $0x1  }
0x63: {  	v10 =	vadd.s32 v8, v10;
	_ =	sdelay $0x1  }
0x64: {  	s11 =	simm.s32 $0x8;
	v9 =	vcvt.s32.f32 v9  }
0x65: {  	v11 =	vmov s11  }
0x66: {  	[tilespmem:s8+$0xFFFFFFE0] =	vst v9;
	v9 =	vshrl.u32 v11, $0x3  }
0x67: {  	v10 =	vld.idx.msk [tilespmem:v10+s9+$0x0], $0xffff;
	v9 =	vshll.u32 v9, v2  }
0x68: {  	v9 =	vbroadcast v9, $0x0;
	_ =	sdelay $0x1  }
0x69: {  	v9 =	vadd.s32 v0, v9;
	_ =	sdelay $0x1  }
0x6a: {  	s12 =	simm.s32 $0x9;
	v10 =	vcvt.s32.f32 v10  }
0x6b: {  	v11 =	vmov s12  }
0x6c: {  	[tilespmem:s8+$0xFFFFFFF0] =	vst v10;
	v10 =	vshrl.u32 v11, $0x3  }
0x6d: {  	v9 =	vld.idx.msk [tilespmem:v9+s9+$0x0], $0xffff;
	v10 =	vshll.u32 v10, v2  }
0x6e: {  	v10 =	vbroadcast v10, $0x0;
	_ =	sdelay $0x1  }
0x6f: {  	v10 =	vadd.s32 v1, v10;
	_ =	sdelay $0x1  }
0x70: {  	s11 =	simm.s32 $0xA;
	v9 =	vcvt.s32.f32 v9  }
0x71: {  	v11 =	vmov s11  }
0x72: {  	[tilespmem:s8+$0x0] =	vst v9;
	v9 =	vshrl.u32 v11, $0x3  }
0x73: {  	v10 =	vld.idx.msk [tilespmem:v10+s9+$0x0], $0xffff;
	v9 =	vshll.u32 v9, v2  }
0x74: {  	v9 =	vbroadcast v9, $0x0;
	_ =	sdelay $0x1  }
0x75: {  	v9 =	vadd.s32 v3, v9;
	_ =	sdelay $0x1  }
0x76: {  	s12 =	simm.s32 $0xB;
	v10 =	vcvt.s32.f32 v10  }
0x77: {  	v11 =	vmov s12  }
0x78: {  	[tilespmem:s8+$0x10] =	vst v10;
	v10 =	vshrl.u32 v11, $0x3  }
0x79: {  	v9 =	vld.idx.msk [tilespmem:v9+s9+$0x0], $0xffff;
	v10 =	vshll.u32 v10, v2  }
0x7a: {  	v10 =	vbroadcast v10, $0x0;
	_ =	sdelay $0x1  }
0x7b: {  	v10 =	vadd.s32 v4, v10;
	_ =	sdelay $0x1  }
0x7c: {  	s11 =	simm.s32 $0xC;
	v9 =	vcvt.s32.f32 v9  }
0x7d: {  	v11 =	vmov s11  }
0x7e: {  	[tilespmem:s8+$0x20] =	vst v9;
	v9 =	vshrl.u32 v11, $0x3  }
0x7f: {  	v10 =	vld.idx.msk [tilespmem:v10+s9+$0x0], $0xffff;
	v9 =	vshll.u32 v9, v2  }
0x80: {  	v9 =	vbroadcast v9, $0x0;
	_ =	sdelay $0x1  }
0x81: {  	v9 =	vadd.s32 v5, v9;
	_ =	sdelay $0x1  }
0x82: {  	s12 =	simm.s32 $0xD;
	v10 =	vcvt.s32.f32 v10  }
0x83: {  	v11 =	vmov s12  }
0x84: {  	[tilespmem:s8+$0x30] =	vst v10;
	v10 =	vshrl.u32 v11, $0x3  }
0x85: {  	v9 =	vld.idx.msk [tilespmem:v9+s9+$0x0], $0xffff;
	v10 =	vshll.u32 v10, v2  }
0x86: {  	v10 =	vbroadcast v10, $0x0;
	_ =	sdelay $0x1  }
0x87: {  	v10 =	vadd.s32 v6, v10;
	_ =	sdelay $0x1  }
0x88: {  	s11 =	simm.s32 $0xE;
	v9 =	vcvt.s32.f32 v9  }
0x89: {  	v11 =	vmov s11  }
0x8a: {  	[tilespmem:s8+$0x40] =	vst v9;
	v9 =	vshrl.u32 v11, $0x3  }
0x8b: {  	v10 =	vld.idx.msk [tilespmem:v10+s9+$0x0], $0xffff;
	v9 =	vshll.u32 v9, v2  }
0x8c: {  	v9 =	vbroadcast v9, $0x0;
	_ =	sdelay $0x1  }
0x8d: {  	v9 =	vadd.s32 v7, v9;
	_ =	sdelay $0x1  }
0x8e: {  	v10 =	vcvt.s32.f32 v10  }
0x8f: {  	s12 =	simm.s32 $0xF  }
0x90: {  	[tilespmem:s8+$0x50] =	vst v10;
	v10 =	vmov s12  }
0x91: {  	v11 =	vld.idx.msk [tilespmem:v9+s9+$0x0], $0xffff;
	v9 =	vshrl.u32 v10, $0x3  }
0x92: {  	v9 =	vshll.u32 v9, v2  }
0x93: {  	v9 =	vbroadcast v9, $0x0;
	_ =	sdelay $0x1  }
0x94: {  	v9 =	vadd.s32 v8, v9;
	_ =	sdelay $0x1  }
0x95: {  	v10 =	vcvt.s32.f32 v11  }
0x96: {  	s10 =	simm.s32 $0x1F;
	s11 =	simm.s32 $0x2F;
	s12 =	simm.s32 $0x10  }
.LBB2_2:
0x97: {  	p0 =	sne.s32 s11, $0x1FF;
	v11 =	vmov s12;
	[tilespmem:s8+$0x60] =	vst v10  }
0x98: {  	v10 =	vshrl.u32 v11, $0x3;
	v9 =	vld.idx.msk [tilespmem:v9+s9+$0x0], $0xffff  }
0x99: {  	v10 =	vshll.u32 v10, v2  }
0x9a: {  	v10 =	vbroadcast v10, $0x0;
	_ =	sdelay $0x1  }
0x9b: {  	v10 =	vor.u32 v0, v10;
	_ =	sdelay $0x1  }
0x9c: {  	v9 =	vcvt.s32.f32 v9  }
0x9d: {  	s12 =	sadd.s32 $0xFFFFFFF2, s10  }
0x9e: {  	v11 =	vmov s12;
	[tilespmem:s8+$0x70] =	vst v9  }
0x9f: {  	v9 =	vld.idx.msk [tilespmem:v10+s9+$0x0], $0xffff;
	v10 =	vshrl.u32 v11, $0x3  }
0xa0: {  	v10 =	vshll.u32 v10, v2  }
0xa1: {  	v10 =	vbroadcast v10, $0x0;
	_ =	sdelay $0x1  }
0xa2: {  	v10 =	vadd.s32 v1, v10;
	_ =	sdelay $0x1  }
0xa3: {  	v9 =	vcvt.s32.f32 v9  }
0xa4: {  	s12 =	sadd.s32 $0xFFFFFFF3, s10;
	s8 =	sadd.s32 $0x100, s8  }
0xa5: {  	[tilespmem:s8+$0xFFFFFF80] =	vst v9;
	v9 =	vmov s12  }
0xa6: {  	v10 =	vld.idx.msk [tilespmem:v10+s9+$0x0], $0xffff;
	v9 =	vshrl.u32 v9, $0x3  }
0xa7: {  	v9 =	vshll.u32 v9, v2  }
0xa8: {  	v9 =	vbroadcast v9, $0x0;
	_ =	sdelay $0x1  }
0xa9: {  	v9 =	vadd.s32 v3, v9;
	_ =	sdelay $0x1  }
0xaa: {  	v10 =	vcvt.s32.f32 v10  }
0xab: {  	s12 =	sadd.s32 $0xFFFFFFF4, s10  }
0xac: {  	[tilespmem:s8+$0xFFFFFF90] =	vst v10;
	v10 =	vmov s12  }
0xad: {  	v9 =	vld.idx.msk [tilespmem:v9+s9+$0x0], $0xffff;
	v10 =	vshrl.u32 v10, $0x3  }
0xae: {  	v10 =	vshll.u32 v10, v2  }
0xaf: {  	v10 =	vbroadcast v10, $0x0;
	_ =	sdelay $0x1  }
0xb0: {  	v10 =	vadd.s32 v4, v10;
	_ =	sdelay $0x1  }
0xb1: {  	v9 =	vcvt.s32.f32 v9  }
0xb2: {  	s12 =	sadd.s32 $0xFFFFFFF5, s10  }
0xb3: {  	[tilespmem:s8+$0xFFFFFFA0] =	vst v9;
	v9 =	vmov s12  }
0xb4: {  	v10 =	vld.idx.msk [tilespmem:v10+s9+$0x0], $0xffff;
	v9 =	vshrl.u32 v9, $0x3  }
0xb5: {  	v9 =	vshll.u32 v9, v2  }
0xb6: {  	v9 =	vbroadcast v9, $0x0;
	_ =	sdelay $0x1  }
0xb7: {  	v9 =	vadd.s32 v5, v9;
	_ =	sdelay $0x1  }
0xb8: {  	v10 =	vcvt.s32.f32 v10  }
0xb9: {  	s12 =	sadd.s32 $0xFFFFFFF6, s10  }
0xba: {  	[tilespmem:s8+$0xFFFFFFB0] =	vst v10;
	v10 =	vmov s12  }
0xbb: {  	v9 =	vld.idx.msk [tilespmem:v9+s9+$0x0], $0xffff;
	v10 =	vshrl.u32 v10, $0x3  }
0xbc: {  	v10 =	vshll.u32 v10, v2  }
0xbd: {  	v10 =	vbroadcast v10, $0x0;
	_ =	sdelay $0x1  }
0xbe: {  	v10 =	vadd.s32 v6, v10;
	_ =	sdelay $0x1  }
0xbf: {  	v9 =	vcvt.s32.f32 v9  }
0xc0: {  	s12 =	sadd.s32 $0xFFFFFFF7, s10  }
0xc1: {  	[tilespmem:s8+$0xFFFFFFC0] =	vst v9;
	v9 =	vmov s12  }
0xc2: {  	v10 =	vld.idx.msk [tilespmem:v10+s9+$0x0], $0xffff;
	v9 =	vshrl.u32 v9, $0x3  }
0xc3: {  	v9 =	vshll.u32 v9, v2  }
0xc4: {  	v9 =	vbroadcast v9, $0x0;
	_ =	sdelay $0x1  }
0xc5: {  	v9 =	vadd.s32 v7, v9;
	_ =	sdelay $0x1  }
0xc6: {  	v10 =	vcvt.s32.f32 v10  }
0xc7: {  	s12 =	sadd.s32 $0xFFFFFFF8, s10  }
0xc8: {  	[tilespmem:s8+$0xFFFFFFD0] =	vst v10;
	v10 =	vmov s12  }
0xc9: {  	v9 =	vld.idx.msk [tilespmem:v9+s9+$0x0], $0xffff;
	v10 =	vshrl.u32 v10, $0x3  }
0xca: {  	v10 =	vshll.u32 v10, v2  }
0xcb: {  	v10 =	vbroadcast v10, $0x0;
	_ =	sdelay $0x1  }
0xcc: {  	v10 =	vadd.s32 v8, v10;
	_ =	sdelay $0x1  }
0xcd: {  	v9 =	vcvt.s32.f32 v9  }
0xce: {  	s12 =	sadd.s32 $0xFFFFFFF9, s10  }
0xcf: {  	[tilespmem:s8+$0xFFFFFFE0] =	vst v9;
	v9 =	vmov s12  }
0xd0: {  	v10 =	vld.idx.msk [tilespmem:v10+s9+$0x0], $0xffff;
	v9 =	vshrl.u32 v9, $0x3  }
0xd1: {  	v9 =	vshll.u32 v9, v2  }
0xd2: {  	v9 =	vbroadcast v9, $0x0;
	_ =	sdelay $0x1  }
0xd3: {  	v9 =	vadd.s32 v0, v9;
	_ =	sdelay $0x1  }
0xd4: {  	v10 =	vcvt.s32.f32 v10  }
0xd5: {  	s12 =	sadd.s32 $0xFFFFFFFA, s10  }
0xd6: {  	[tilespmem:s8+$0xFFFFFFF0] =	vst v10;
	v10 =	vmov s12  }
0xd7: {  	v9 =	vld.idx.msk [tilespmem:v9+s9+$0x0], $0xffff;
	v10 =	vshrl.u32 v10, $0x3  }
0xd8: {  	v10 =	vshll.u32 v10, v2  }
0xd9: {  	v10 =	vbroadcast v10, $0x0;
	_ =	sdelay $0x1  }
0xda: {  	v10 =	vadd.s32 v1, v10;
	_ =	sdelay $0x1  }
0xdb: {  	v9 =	vcvt.s32.f32 v9  }
0xdc: {  	s12 =	sadd.s32 $0xFFFFFFFB, s10  }
0xdd: {  	[tilespmem:s8+$0x0] =	vst v9;
	v9 =	vmov s12  }
0xde: {  	v10 =	vld.idx.msk [tilespmem:v10+s9+$0x0], $0xffff;
	v9 =	vshrl.u32 v9, $0x3  }
0xdf: {  	v9 =	vshll.u32 v9, v2  }
0xe0: {  	v9 =	vbroadcast v9, $0x0;
	_ =	sdelay $0x1  }
0xe1: {  	v9 =	vadd.s32 v3, v9;
	_ =	sdelay $0x1  }
0xe2: {  	v10 =	vcvt.s32.f32 v10  }
0xe3: {  	s12 =	sadd.s32 $0xFFFFFFFC, s10  }
0xe4: {  	[tilespmem:s8+$0x10] =	vst v10;
	v10 =	vmov s12  }
0xe5: {  	v9 =	vld.idx.msk [tilespmem:v9+s9+$0x0], $0xffff;
	v10 =	vshrl.u32 v10, $0x3  }
0xe6: {  	v10 =	vshll.u32 v10, v2  }
0xe7: {  	v10 =	vbroadcast v10, $0x0;
	_ =	sdelay $0x1  }
0xe8: {  	v10 =	vadd.s32 v4, v10;
	_ =	sdelay $0x1  }
0xe9: {  	v9 =	vcvt.s32.f32 v9  }
0xea: {  	s12 =	sadd.s32 $0xFFFFFFFD, s10  }
0xeb: {  	[tilespmem:s8+$0x20] =	vst v9;
	v9 =	vmov s12  }
0xec: {  	v10 =	vld.idx.msk [tilespmem:v10+s9+$0x0], $0xffff;
	v9 =	vshrl.u32 v9, $0x3  }
0xed: {  	v9 =	vshll.u32 v9, v2  }
0xee: {  	v9 =	vbroadcast v9, $0x0;
	_ =	sdelay $0x1  }
0xef: {  	v9 =	vadd.s32 v5, v9;
	_ =	sdelay $0x1  }
0xf0: {  	v10 =	vcvt.s32.f32 v10  }
0xf1: {  	s12 =	sadd.s32 $0xFFFFFFFE, s10  }
0xf2: {  	[tilespmem:s8+$0x30] =	vst v10;
	v10 =	vmov s12  }
0xf3: {  	v9 =	vld.idx.msk [tilespmem:v9+s9+$0x0], $0xffff;
	v10 =	vshrl.u32 v10, $0x3  }
0xf4: {  	v10 =	vshll.u32 v10, v2  }
0xf5: {  	v10 =	vbroadcast v10, $0x0;
	_ =	sdelay $0x1  }
0xf6: {  	v10 =	vadd.s32 v6, v10;
	_ =	sdelay $0x1  }
0xf7: {  	v9 =	vcvt.s32.f32 v9  }
0xf8: {  	s12 =	sadd.s32 $0xFFFFFFFF, s10  }
0xf9: {  	[tilespmem:s8+$0x40] =	vst v9;
	v9 =	vmov s12  }
0xfa: {  	v10 =	vld.idx.msk [tilespmem:v10+s9+$0x0], $0xffff;
	v9 =	vshrl.u32 v9, $0x3  }
0xfb: {  	v9 =	vshll.u32 v9, v2  }
0xfc: {  	v9 =	vbroadcast v9, $0x0;
	_ =	sdelay $0x1  }
0xfd: {  	v9 =	vadd.s32 v7, v9;
	_ =	sdelay $0x1  }
0xfe: {  	v10 =	vcvt.s32.f32 v10;
	_ =	sdelay $0x1  }
0xff: {  	[tilespmem:s8+$0x50] =	vst v10;
	v10 =	vmov s10;
	s10 =	smov.u32 s11  }
0x100: {  	v11 =	vld.idx.msk [tilespmem:v9+s9+$0x0], $0xffff;
	v9 =	vshrl.u32 v10, $0x3  }
0x101: {  	v9 =	vshll.u32 v9, v2  }
0x102: {  	v9 =	vbroadcast v9, $0x0  }
.Ltmp0:
0x103: {  	(pc) =	sbr.rel @p0 .LBB2_2-.Ltmp0, $3  }
0x104: {  	v9 =	vadd.s32 v8, v9;
	_ =	sdelay $0x1  }
0x105: {  	v10 =	vcvt.s32.f32 v11  }
0x106: {  	s11 =	sadd.s32 $0x10, s11;
	s12 =	sadd.s32 $0xFFFFFFF1, s10  }
0x107: {  	_ =	sdelay $0x1  }
0x108: {  	v11 =	vmov s12  }
0x109: {  	[tilespmem:s8+$0x60] =	vst v10;
	v10 =	vshrl.u32 v11, $0x3  }
0x10a: {  	v9 =	vld.idx.msk [tilespmem:v9+s9+$0x0], $0xffff;
	v10 =	vshll.u32 v10, v2  }
0x10b: {  	v10 =	vbroadcast v10, $0x0;
	_ =	sdelay $0x1  }
0x10c: {  	v10 =	vor.u32 v0, v10;
	_ =	sdelay $0x1  }
0x10d: {  	s11 =	sadd.s32 $0xFFFFFFF2, s10;
	v9 =	vcvt.s32.f32 v9  }
0x10e: {  	v11 =	vmov s11  }
0x10f: {  	[tilespmem:s8+$0x70] =	vst v9;
	v9 =	vshrl.u32 v11, $0x3  }
0x110: {  	v9 =	vshll.u32 v9, v2;
	v10 =	vld.idx.msk [tilespmem:v10+s9+$0x0], $0xffff  }
0x111: {  	v9 =	vbroadcast v9, $0x0;
	_ =	sdelay $0x1  }
0x112: {  	v9 =	vadd.s32 v1, v9;
	_ =	sdelay $0x1  }
0x113: {  	s12 =	sadd.s32 $0xFFFFFFF3, s10;
	v10 =	vcvt.s32.f32 v10  }
0x114: {  	s8 =	sadd.s32 $0x100, s8;
	v11 =	vmov s12  }
0x115: {  	[tilespmem:s8+$0xFFFFFF80] =	vst v10;
	v10 =	vshrl.u32 v11, $0x3  }
0x116: {  	v9 =	vld.idx.msk [tilespmem:v9+s9+$0x0], $0xffff;
	v10 =	vshll.u32 v10, v2  }
0x117: {  	v10 =	vbroadcast v10, $0x0;
	_ =	sdelay $0x1  }
0x118: {  	v10 =	vadd.s32 v3, v10;
	_ =	sdelay $0x1  }
0x119: {  	s12 =	sadd.s32 $0xFFFFFFF4, s10;
	v9 =	vcvt.s32.f32 v9  }
0x11a: {  	v11 =	vmov s12  }
0x11b: {  	[tilespmem:s8+$0xFFFFFF90] =	vst v9;
	v9 =	vshrl.u32 v11, $0x3  }
0x11c: {  	v10 =	vld.idx.msk [tilespmem:v10+s9+$0x0], $0xffff;
	v9 =	vshll.u32 v9, v2  }
0x11d: {  	v9 =	vbroadcast v9, $0x0;
	_ =	sdelay $0x1  }
0x11e: {  	v9 =	vadd.s32 v4, v9;
	_ =	sdelay $0x1  }
0x11f: {  	s12 =	sadd.s32 $0xFFFFFFF5, s10;
	v10 =	vcvt.s32.f32 v10  }
0x120: {  	v11 =	vmov s12  }
0x121: {  	[tilespmem:s8+$0xFFFFFFA0] =	vst v10;
	v10 =	vshrl.u32 v11, $0x3  }
0x122: {  	v9 =	vld.idx.msk [tilespmem:v9+s9+$0x0], $0xffff;
	v10 =	vshll.u32 v10, v2  }
0x123: {  	v10 =	vbroadcast v10, $0x0;
	_ =	sdelay $0x1  }
0x124: {  	v10 =	vadd.s32 v5, v10;
	_ =	sdelay $0x1  }
0x125: {  	s12 =	sadd.s32 $0xFFFFFFF6, s10;
	v9 =	vcvt.s32.f32 v9  }
0x126: {  	v11 =	vmov s12  }
0x127: {  	[tilespmem:s8+$0xFFFFFFB0] =	vst v9;
	v9 =	vshrl.u32 v11, $0x3  }
0x128: {  	v10 =	vld.idx.msk [tilespmem:v10+s9+$0x0], $0xffff;
	v9 =	vshll.u32 v9, v2  }
0x129: {  	v9 =	vbroadcast v9, $0x0;
	_ =	sdelay $0x1  }
0x12a: {  	v9 =	vadd.s32 v6, v9;
	_ =	sdelay $0x1  }
0x12b: {  	s12 =	sadd.s32 $0xFFFFFFF7, s10;
	v10 =	vcvt.s32.f32 v10  }
0x12c: {  	v11 =	vmov s12  }
0x12d: {  	[tilespmem:s8+$0xFFFFFFC0] =	vst v10;
	v10 =	vshrl.u32 v11, $0x3  }
0x12e: {  	v9 =	vld.idx.msk [tilespmem:v9+s9+$0x0], $0xffff;
	v10 =	vshll.u32 v10, v2  }
0x12f: {  	v10 =	vbroadcast v10, $0x0;
	_ =	sdelay $0x1  }
0x130: {  	v10 =	vadd.s32 v7, v10;
	_ =	sdelay $0x1  }
0x131: {  	s12 =	sadd.s32 $0xFFFFFFF8, s10;
	v9 =	vcvt.s32.f32 v9  }
0x132: {  	v11 =	vmov s12  }
0x133: {  	[tilespmem:s8+$0xFFFFFFD0] =	vst v9;
	v9 =	vshrl.u32 v11, $0x3  }
0x134: {  	v10 =	vld.idx.msk [tilespmem:v10+s9+$0x0], $0xffff;
	v9 =	vshll.u32 v9, v2  }
0x135: {  	v9 =	vbroadcast v9, $0x0;
	_ =	sdelay $0x1  }
0x136: {  	v9 =	vadd.s32 v8, v9;
	_ =	sdelay $0x1  }
0x137: {  	s12 =	sadd.s32 $0xFFFFFFF9, s10;
	v10 =	vcvt.s32.f32 v10  }
0x138: {  	v11 =	vmov s12  }
0x139: {  	[tilespmem:s8+$0xFFFFFFE0] =	vst v10;
	v10 =	vshrl.u32 v11, $0x3  }
0x13a: {  	v9 =	vld.idx.msk [tilespmem:v9+s9+$0x0], $0xffff;
	v10 =	vshll.u32 v10, v2  }
0x13b: {  	v10 =	vbroadcast v10, $0x0;
	_ =	sdelay $0x1  }
0x13c: {  	v10 =	vadd.s32 v0, v10;
	_ =	sdelay $0x1  }
0x13d: {  	s12 =	sadd.s32 $0xFFFFFFFA, s10;
	v9 =	vcvt.s32.f32 v9  }
0x13e: {  	v11 =	vmov s12  }
0x13f: {  	[tilespmem:s8+$0xFFFFFFF0] =	vst v9;
	v9 =	vshrl.u32 v11, $0x3  }
0x140: {  	v10 =	vld.idx.msk [tilespmem:v10+s9+$0x0], $0xffff;
	v9 =	vshll.u32 v9, v2  }
0x141: {  	v9 =	vbroadcast v9, $0x0;
	_ =	sdelay $0x1  }
0x142: {  	v9 =	vadd.s32 v1, v9;
	_ =	sdelay $0x1  }
0x143: {  	s12 =	sadd.s32 $0xFFFFFFFB, s10;
	v10 =	vcvt.s32.f32 v10  }
0x144: {  	v11 =	vmov s12  }
0x145: {  	[tilespmem:s8+$0x0] =	vst v10;
	v10 =	vshrl.u32 v11, $0x3  }
0x146: {  	v9 =	vld.idx.msk [tilespmem:v9+s9+$0x0], $0xffff;
	v10 =	vshll.u32 v10, v2  }
0x147: {  	v10 =	vbroadcast v10, $0x0;
	_ =	sdelay $0x1  }
0x148: {  	v10 =	vadd.s32 v3, v10;
	_ =	sdelay $0x1  }
0x149: {  	s12 =	sadd.s32 $0xFFFFFFFC, s10;
	v9 =	vcvt.s32.f32 v9  }
0x14a: {  	v11 =	vmov s12  }
0x14b: {  	[tilespmem:s8+$0x10] =	vst v9;
	v9 =	vshrl.u32 v11, $0x3  }
0x14c: {  	v10 =	vld.idx.msk [tilespmem:v10+s9+$0x0], $0xffff;
	v9 =	vshll.u32 v9, v2  }
0x14d: {  	v9 =	vbroadcast v9, $0x0;
	_ =	sdelay $0x1  }
0x14e: {  	v9 =	vadd.s32 v4, v9;
	_ =	sdelay $0x1  }
0x14f: {  	s12 =	sadd.s32 $0xFFFFFFFD, s10;
	v10 =	vcvt.s32.f32 v10  }
0x150: {  	v11 =	vmov s12  }
0x151: {  	[tilespmem:s8+$0x20] =	vst v10;
	v10 =	vshrl.u32 v11, $0x3  }
0x152: {  	v9 =	vld.idx.msk [tilespmem:v9+s9+$0x0], $0xffff;
	v10 =	vshll.u32 v10, v2  }
0x153: {  	v10 =	vbroadcast v10, $0x0;
	_ =	sdelay $0x1  }
0x154: {  	v10 =	vadd.s32 v5, v10;
	_ =	sdelay $0x1  }
0x155: {  	s12 =	sadd.s32 $0xFFFFFFFE, s10;
	v9 =	vcvt.s32.f32 v9  }
0x156: {  	v11 =	vmov s12  }
0x157: {  	[tilespmem:s8+$0x30] =	vst v9;
	v9 =	vshrl.u32 v11, $0x3  }
0x158: {  	v10 =	vld.idx.msk [tilespmem:v10+s9+$0x0], $0xffff;
	v9 =	vshll.u32 v9, v2  }
0x159: {  	v9 =	vbroadcast v9, $0x0;
	_ =	sdelay $0x1  }
0x15a: {  	v9 =	vadd.s32 v6, v9;
	_ =	sdelay $0x1  }
0x15b: {  	s12 =	sadd.s32 $0xFFFFFFFF, s10;
	v10 =	vcvt.s32.f32 v10  }
0x15c: {  	v11 =	vmov s12  }
0x15d: {  	[tilespmem:s8+$0x40] =	vst v10;
	v10 =	vshrl.u32 v11, $0x3  }
0x15e: {  	v9 =	vld.idx.msk [tilespmem:v9+s9+$0x0], $0xffff;
	v10 =	vshll.u32 v10, v2  }
0x15f: {  	v10 =	vbroadcast v10, $0x0;
	_ =	sdelay $0x1  }
0x160: {  	v10 =	vadd.s32 v7, v10;
	_ =	sdelay $0x1  }
0x161: {  	v9 =	vcvt.s32.f32 v9  }
0x162: {  	v11 =	vmov s10  }
0x163: {  	[tilespmem:s8+$0x50] =	vst v9;
	v9 =	vshrl.u32 v11, $0x3  }
0x164: {  	v10 =	vld.idx.msk [tilespmem:v10+s9+$0x0], $0xffff;
	v9 =	vshll.u32 v9, v2  }
0x165: {  	v9 =	vbroadcast v9, $0x0;
	_ =	sdelay $0x1  }
0x166: {  	v9 =	vadd.s32 v8, v9;
	_ =	sdelay $0x1  }
0x167: {  	v10 =	vcvt.s32.f32 v10;
	_ =	sdelay $0x1  }
0x168: {  	[tilespmem:s8+$0x60] =	vst v10  }
0x169: {  	v9 =	vld.idx.msk [tilespmem:v9+s9+$0x0], $0xffff;
	_ =	sdelay $0x4  }
0x16a: {  	v9 =	vcvt.s32.f32 v9;
	_ =	sdelay $0x1  }
0x16b: {  	s12 =	simm.s32 $0x4E00;
	[tilespmem:s8+$0x70] =	vst v9  }
0x16c: {  	[hbm4b:s22+s3] =	stream.strided.scatter [tilespmem:s12], [sflag:$0x3], $0x2000, s4, s3, $0x38;
	[tilespmem:$0xAE00] =	vst v63  }
0x16d: {  	_ =	swait.ge [sflag:s0], $0x2000  }
0x16e: {  	[sflag:s0] =	ssyncset.done $0x0  }
0x16f: {  	[sflag:s0] =	ssyncadd.s32 $0xFFFFE000  }
0x170: {  	_ =	swait.ge [sflag:s5], $0x2000  }
0x171: {  	s10 =	sld [smem:$0x7F3]  }
0x172: {  	[sflag:s5] =	ssyncset.done $0x0  }
0x173: {  	[sflag:s5] =	ssyncadd.s32 $0xFFFFE000  }
0x174: {  	[hbm4b:s10+s3] =	stream.strided.scatter [tilespmem:s1], [sflag:$0x3], $0x2000, s4, s3, $0x38;
	[tilespmem:$0xAE00] =	vst v63  }
0x175: {  	_ =	swait.ge [sflag:s0], $0x2000  }
0x176: {  	[sflag:s0] =	ssyncset.done $0x0  }
0x177: {  	s12 =	simm.s32 $0x400;
	s11 =	rddreg [dreg:$0xd];
	[sflag:s0] =	ssyncadd.s32 $0xFFFFE000  }
0x178: {  	[tilespmem:s1], [sflag:$0x1] =	stream.indirect.gather [hbm4b:s11+s30], $0x10, s12, s30, $0xb8;
	[tilespmem:$0xAE00] =	vst v63  }
0x179: {  	_ =	swait.ge [sflag:s6], $0x2000  }
0x17a: {  	s10 =	sld [smem:$0x7F4]  }
0x17b: {  	[sflag:s6] =	ssyncset.done $0x0  }
0x17c: {  	[sflag:s6] =	ssyncadd.s32 $0xFFFFE000  }
0x17d: {  	[hbm4b:s10+s3] =	stream.strided.scatter [tilespmem:s2], [sflag:$0x3], $0x2000, s4, s3, $0x38;
	[tilespmem:$0xAE00] =	vst v63  }
0x17e: {  	_ =	swait.ge [sflag:s0], $0x2000  }
0x17f: {  	[sflag:s0] =	ssyncset.done $0x0  }
0x180: {  	s12 =	simm.s32 $0x600;
	s11 =	rddreg [dreg:$0x5];
	[sflag:s0] =	ssyncadd.s32 $0xFFFFE000  }
0x181: {  	[tilespmem:s2], [sflag:$0x2] =	stream.indirect.gather [hbm4b:s11+s30], $0x10, s12, s30, $0xb8;
	[tilespmem:$0xAE00] =	vst v63  }
0x182: {  	_ =	swait.ge [sflag:s5], $0x2000  }
0x183: {  	s10 =	sld [smem:$0x7F5]  }
0x184: {  	[sflag:s5] =	ssyncset.done $0x0  }
0x185: {  	[sflag:s5] =	ssyncadd.s32 $0xFFFFE000  }
0x186: {  	[hbm4b:s10+s3] =	stream.strided.scatter [tilespmem:s1], [sflag:$0x3], $0x2000, s4, s3, $0x38;
	[tilespmem:$0xAE00] =	vst v63  }
0x187: {  	_ =	swait.ge [sflag:s0], $0x2000  }
0x188: {  	[sflag:s0] =	ssyncset.done $0x0  }
0x189: {  	s12 =	simm.s32 $0x800;
	s11 =	rddreg [dreg:$0x4];
	[sflag:s0] =	ssyncadd.s32 $0xFFFFE000  }
0x18a: {  	[tilespmem:s1], [sflag:$0x1] =	stream.indirect.gather [hbm4b:s11+s30], $0x10, s12, s30, $0xb8;
	[tilespmem:$0xAE00] =	vst v63  }
0x18b: {  	_ =	swait.ge [sflag:s6], $0x2000  }
0x18c: {  	s10 =	sld [smem:$0x7F6]  }
0x18d: {  	[sflag:s6] =	ssyncset.done $0x0  }
0x18e: {  	[sflag:s6] =	ssyncadd.s32 $0xFFFFE000  }
0x18f: {  	[hbm4b:s10+s3] =	stream.strided.scatter [tilespmem:s2], [sflag:$0x3], $0x2000, s4, s3, $0x38;
	[tilespmem:$0xAE00] =	vst v63  }
0x190: {  	_ =	swait.ge [sflag:s0], $0x2000  }
0x191: {  	[sflag:s0] =	ssyncset.done $0x0  }
0x192: {  	s12 =	simm.s32 $0xA00;
	s11 =	rddreg [dreg:$0x6];
	[sflag:s0] =	ssyncadd.s32 $0xFFFFE000  }
0x193: {  	[tilespmem:s2], [sflag:$0x2] =	stream.indirect.gather [hbm4b:s11+s30], $0x10, s12, s30, $0xb8;
	[tilespmem:$0xAE00] =	vst v63  }
0x194: {  	_ =	swait.ge [sflag:s5], $0x2000  }
0x195: {  	s10 =	sld [smem:$0x7F7]  }
0x196: {  	[sflag:s5] =	ssyncset.done $0x0  }
0x197: {  	[sflag:s5] =	ssyncadd.s32 $0xFFFFE000  }
0x198: {  	[hbm4b:s10+s3] =	stream.strided.scatter [tilespmem:s1], [sflag:$0x3], $0x2000, s4, s3, $0x38;
	[tilespmem:$0xAE00] =	vst v63  }
0x199: {  	_ =	swait.ge [sflag:s0], $0x2000  }
0x19a: {  	[sflag:s0] =	ssyncset.done $0x0  }
0x19b: {  	s12 =	simm.s32 $0xC00;
	s11 =	rddreg [dreg:$0x7];
	[sflag:s0] =	ssyncadd.s32 $0xFFFFE000  }
0x19c: {  	[tilespmem:s1], [sflag:$0x1] =	stream.indirect.gather [hbm4b:s11+s30], $0x10, s12, s30, $0xb8;
	[tilespmem:$0xAE00] =	vst v63  }
0x19d: {  	_ =	swait.ge [sflag:s6], $0x2000  }
0x19e: {  	s10 =	sld [smem:$0x7F8]  }
0x19f: {  	[sflag:s6] =	ssyncset.done $0x0  }
0x1a0: {  	[sflag:s6] =	ssyncadd.s32 $0xFFFFE000  }
0x1a1: {  	[hbm4b:s10+s3] =	stream.strided.scatter [tilespmem:s2], [sflag:$0x3], $0x2000, s4, s3, $0x38;
	[tilespmem:$0xAE00] =	vst v63  }
0x1a2: {  	_ =	swait.ge [sflag:s0], $0x2000  }
0x1a3: {  	[sflag:s0] =	ssyncset.done $0x0  }
0x1a4: {  	s12 =	simm.s32 $0xE00;
	s11 =	rddreg [dreg:$0x8];
	[sflag:s0] =	ssyncadd.s32 $0xFFFFE000  }
0x1a5: {  	[tilespmem:s2], [sflag:$0x2] =	stream.indirect.gather [hbm4b:s11+s30], $0x10, s12, s30, $0xb8;
	[tilespmem:$0xAE00] =	vst v63  }
0x1a6: {  	_ =	swait.ge [sflag:s5], $0x2000  }
0x1a7: {  	s10 =	sld [smem:$0x7F9]  }
0x1a8: {  	[sflag:s5] =	ssyncset.done $0x0  }
0x1a9: {  	[sflag:s5] =	ssyncadd.s32 $0xFFFFE000  }
0x1aa: {  	[hbm4b:s10+s3] =	stream.strided.scatter [tilespmem:s1], [sflag:$0x3], $0x2000, s4, s3, $0x38;
	[tilespmem:$0xAE00] =	vst v63  }
0x1ab: {  	_ =	swait.ge [sflag:s0], $0x2000  }
0x1ac: {  	[sflag:s0] =	ssyncset.done $0x0  }
0x1ad: {  	s12 =	simm.s32 $0x1000;
	s11 =	rddreg [dreg:$0x11];
	[sflag:s0] =	ssyncadd.s32 $0xFFFFE000  }
0x1ae: {  	[tilespmem:s1], [sflag:$0x1] =	stream.indirect.gather [hbm4b:s11+s30], $0x10, s12, s30, $0xb8;
	[tilespmem:$0xAE00] =	vst v63  }
0x1af: {  	_ =	swait.ge [sflag:s6], $0x2000  }
0x1b0: {  	s10 =	sld [smem:$0x7FA]  }
0x1b1: {  	[sflag:s6] =	ssyncset.done $0x0  }
0x1b2: {  	[sflag:s6] =	ssyncadd.s32 $0xFFFFE000  }
0x1b3: {  	[hbm4b:s10+s3] =	stream.strided.scatter [tilespmem:s2], [sflag:$0x3], $0x2000, s4, s3, $0x38;
	[tilespmem:$0xAE00] =	vst v63  }
0x1b4: {  	_ =	swait.ge [sflag:s0], $0x2000  }
0x1b5: {  	[sflag:s0] =	ssyncset.done $0x0  }
0x1b6: {  	s12 =	simm.s32 $0x1200;
	s11 =	rddreg [dreg:$0x9];
	[sflag:s0] =	ssyncadd.s32 $0xFFFFE000  }
0x1b7: {  	[tilespmem:s2], [sflag:$0x2] =	stream.indirect.gather [hbm4b:s11+s30], $0x10, s12, s30, $0xb8;
	[tilespmem:$0xAE00] =	vst v63  }
0x1b8: {  	_ =	swait.ge [sflag:s5], $0x2000  }
0x1b9: {  	s10 =	sld [smem:$0x7FB]  }
0x1ba: {  	[sflag:s5] =	ssyncset.done $0x0  }
0x1bb: {  	[sflag:s5] =	ssyncadd.s32 $0xFFFFE000  }
0x1bc: {  	[hbm4b:s10+s3] =	stream.strided.scatter [tilespmem:s1], [sflag:$0x3], $0x2000, s4, s3, $0x38;
	[tilespmem:$0xAE00] =	vst v63  }
0x1bd: {  	_ =	swait.ge [sflag:s0], $0x2000  }
0x1be: {  	[sflag:s0] =	ssyncset.done $0x0  }
0x1bf: {  	s12 =	simm.s32 $0x1400;
	s11 =	rddreg [dreg:$0xa];
	[sflag:s0] =	ssyncadd.s32 $0xFFFFE000  }
0x1c0: {  	[tilespmem:s1], [sflag:$0x1] =	stream.indirect.gather [hbm4b:s11+s30], $0x10, s12, s30, $0xb8;
	[tilespmem:$0xAE00] =	vst v63  }
0x1c1: {  	_ =	swait.ge [sflag:s6], $0x2000  }
0x1c2: {  	s10 =	sld [smem:$0x7FC]  }
0x1c3: {  	[sflag:s6] =	ssyncset.done $0x0  }
0x1c4: {  	[sflag:s6] =	ssyncadd.s32 $0xFFFFE000  }
0x1c5: {  	[hbm4b:s10+s3] =	stream.strided.scatter [tilespmem:s2], [sflag:$0x3], $0x2000, s4, s3, $0x38;
	[tilespmem:$0xAE00] =	vst v63  }
0x1c6: {  	_ =	swait.ge [sflag:s0], $0x2000  }
0x1c7: {  	[sflag:s0] =	ssyncset.done $0x0  }
0x1c8: {  	s12 =	simm.s32 $0x1600;
	s11 =	rddreg [dreg:$0xb];
	[sflag:s0] =	ssyncadd.s32 $0xFFFFE000  }
0x1c9: {  	[tilespmem:s2], [sflag:$0x2] =	stream.indirect.gather [hbm4b:s11+s30], $0x10, s12, s30, $0xb8;
	[tilespmem:$0xAE00] =	vst v63  }
0x1ca: {  	_ =	swait.ge [sflag:s5], $0x2000  }
0x1cb: {  	s10 =	sld [smem:$0x7FD]  }
0x1cc: {  	[sflag:s5] =	ssyncset.done $0x0  }
0x1cd: {  	[sflag:s5] =	ssyncadd.s32 $0xFFFFE000  }
0x1ce: {  	[hbm4b:s10+s3] =	stream.strided.scatter [tilespmem:s1], [sflag:$0x3], $0x2000, s4, s3, $0x38;
	[tilespmem:$0xAE00] =	vst v63  }
0x1cf: {  	_ =	swait.ge [sflag:s0], $0x2000  }
0x1d0: {  	[sflag:s0] =	ssyncset.done $0x0  }
0x1d1: {  	s12 =	simm.s32 $0x1800;
	s11 =	rddreg [dreg:$0xc];
	[sflag:s0] =	ssyncadd.s32 $0xFFFFE000  }
0x1d2: {  	[tilespmem:s1], [sflag:$0x1] =	stream.indirect.gather [hbm4b:s11+s30], $0x10, s12, s30, $0xb8;
	[tilespmem:$0xAE00] =	vst v63  }
0x1d3: {  	_ =	swait.ge [sflag:s6], $0x2000  }
0x1d4: {  	[sflag:s6] =	ssyncset.done $0x0  }
0x1d5: {  	[sflag:s6] =	ssyncadd.s32 $0xFFFFE000  }
0x1d6: {  	[hbm4b:s13+s3] =	stream.strided.scatter [tilespmem:s2], [sflag:$0x3], $0x2000, s4, s3, $0x38;
	[tilespmem:$0xAE00] =	vst v63  }
0x1d7: {  	_ =	swait.ge [sflag:s0], $0x2000  }
0x1d8: {  	[sflag:s0] =	ssyncset.done $0x0  }
0x1d9: {  	s12 =	simm.s32 $0x1A00;
	s11 =	rddreg [dreg:$0xe];
	[sflag:s0] =	ssyncadd.s32 $0xFFFFE000  }
0x1da: {  	[tilespmem:s2], [sflag:$0x2] =	stream.indirect.gather [hbm4b:s11+s30], $0x10, s12, s30, $0xb8;
	[tilespmem:$0xAE00] =	vst v63  }
0x1db: {  	_ =	swait.ge [sflag:s5], $0x2000  }
0x1dc: {  	[sflag:s5] =	ssyncset.done $0x0  }
0x1dd: {  	[sflag:s5] =	ssyncadd.s32 $0xFFFFE000  }
0x1de: {  	[hbm4b:s14+s3] =	stream.strided.scatter [tilespmem:s1], [sflag:$0x3], $0x2000, s4, s3, $0x38;
	[tilespmem:$0xAE00] =	vst v63  }
0x1df: {  	_ =	swait.ge [sflag:s0], $0x2000  }
0x1e0: {  	[sflag:s0] =	ssyncset.done $0x0  }
0x1e1: {  	s12 =	simm.s32 $0x1C00;
	s11 =	rddreg [dreg:$0x10];
	[sflag:s0] =	ssyncadd.s32 $0xFFFFE000  }
0x1e2: {  	[tilespmem:s1], [sflag:$0x1] =	stream.indirect.gather [hbm4b:s11+s30], $0x10, s12, s30, $0xb8;
	[tilespmem:$0xAE00] =	vst v63  }
0x1e3: {  	_ =	swait.ge [sflag:s6], $0x2000  }
0x1e4: {  	[sflag:s6] =	ssyncset.done $0x0  }
0x1e5: {  	[sflag:s6] =	ssyncadd.s32 $0xFFFFE000  }
0x1e6: {  	[hbm4b:s15+s3] =	stream.strided.scatter [tilespmem:s2], [sflag:$0x3], $0x2000, s4, s3, $0x38;
	[tilespmem:$0xAE00] =	vst v63  }
0x1e7: {  	_ =	swait.ge [sflag:s0], $0x2000  }
0x1e8: {  	[sflag:s0] =	ssyncset.done $0x0  }
0x1e9: {  	s12 =	simm.s32 $0x1E00;
	s11 =	rddreg [dreg:$0x12];
	[sflag:s0] =	ssyncadd.s32 $0xFFFFE000  }
0x1ea: {  	[tilespmem:s2], [sflag:$0x2] =	stream.indirect.gather [hbm4b:s11+s30], $0x10, s12, s30, $0xb8;
	[tilespmem:$0xAE00] =	vst v63  }
0x1eb: {  	_ =	swait.ge [sflag:s5], $0x2000  }
0x1ec: {  	[sflag:s5] =	ssyncset.done $0x0  }
0x1ed: {  	[sflag:s5] =	ssyncadd.s32 $0xFFFFE000  }
0x1ee: {  	[hbm4b:s16+s3] =	stream.strided.scatter [tilespmem:s1], [sflag:$0x3], $0x2000, s4, s3, $0x38;
	[tilespmem:$0xAE00] =	vst v63  }
0x1ef: {  	_ =	swait.ge [sflag:s0], $0x2000  }
0x1f0: {  	[sflag:s0] =	ssyncset.done $0x0  }
0x1f1: {  	s12 =	simm.s32 $0x2000;
	s11 =	rddreg [dreg:$0x14];
	[sflag:s0] =	ssyncadd.s32 $0xFFFFE000  }
0x1f2: {  	[tilespmem:s1], [sflag:$0x1] =	stream.indirect.gather [hbm4b:s11+s30], $0x10, s12, s30, $0xb8;
	[tilespmem:$0xAE00] =	vst v63  }
0x1f3: {  	_ =	swait.ge [sflag:s6], $0x2000  }
0x1f4: {  	[sflag:s6] =	ssyncset.done $0x0  }
0x1f5: {  	[sflag:s6] =	ssyncadd.s32 $0xFFFFE000  }
0x1f6: {  	[hbm4b:s17+s3] =	stream.strided.scatter [tilespmem:s2], [sflag:$0x3], $0x2000, s4, s3, $0x38;
	[tilespmem:$0xAE00] =	vst v63  }
0x1f7: {  	_ =	swait.ge [sflag:s0], $0x2000  }
0x1f8: {  	[sflag:s0] =	ssyncset.done $0x0  }
0x1f9: {  	s12 =	simm.s32 $0x2200;
	s11 =	rddreg [dreg:$0x1c];
	[sflag:s0] =	ssyncadd.s32 $0xFFFFE000  }
0x1fa: {  	[tilespmem:s2], [sflag:$0x2] =	stream.indirect.gather [hbm4b:s11+s30], $0x10, s12, s30, $0xb8;
	[tilespmem:$0xAE00] =	vst v63  }
0x1fb: {  	_ =	swait.ge [sflag:s5], $0x2000  }
0x1fc: {  	[sflag:s5] =	ssyncset.done $0x0  }
0x1fd: {  	[sflag:s5] =	ssyncadd.s32 $0xFFFFE000  }
0x1fe: {  	[hbm4b:s18+s3] =	stream.strided.scatter [tilespmem:s1], [sflag:$0x3], $0x2000, s4, s3, $0x38;
	[tilespmem:$0xAE00] =	vst v63  }
0x1ff: {  	_ =	swait.ge [sflag:s0], $0x2000  }
0x200: {  	[sflag:s0] =	ssyncset.done $0x0  }
0x201: {  	s12 =	simm.s32 $0x2400;
	s11 =	rddreg [dreg:$0x13];
	[sflag:s0] =	ssyncadd.s32 $0xFFFFE000  }
0x202: {  	[tilespmem:s1], [sflag:$0x1] =	stream.indirect.gather [hbm4b:s11+s30], $0x10, s12, s30, $0xb8;
	[tilespmem:$0xAE00] =	vst v63  }
0x203: {  	_ =	swait.ge [sflag:s6], $0x2000  }
0x204: {  	[sflag:s6] =	ssyncset.done $0x0  }
0x205: {  	[sflag:s6] =	ssyncadd.s32 $0xFFFFE000  }
0x206: {  	[hbm4b:s19+s3] =	stream.strided.scatter [tilespmem:s2], [sflag:$0x3], $0x2000, s4, s3, $0x38;
	[tilespmem:$0xAE00] =	vst v63  }
0x207: {  	_ =	swait.ge [sflag:s0], $0x2000  }
0x208: {  	[sflag:s0] =	ssyncset.done $0x0  }
0x209: {  	s12 =	simm.s32 $0x2600;
	s11 =	rddreg [dreg:$0x15];
	[sflag:s0] =	ssyncadd.s32 $0xFFFFE000  }
0x20a: {  	[tilespmem:s2], [sflag:$0x2] =	stream.indirect.gather [hbm4b:s11+s30], $0x10, s12, s30, $0xb8;
	[tilespmem:$0xAE00] =	vst v63  }
0x20b: {  	_ =	swait.ge [sflag:s5], $0x2000  }
0x20c: {  	[sflag:s5] =	ssyncset.done $0x0  }
0x20d: {  	[sflag:s5] =	ssyncadd.s32 $0xFFFFE000  }
0x20e: {  	[hbm4b:s20+s3] =	stream.strided.scatter [tilespmem:s1], [sflag:$0x3], $0x2000, s4, s3, $0x38;
	[tilespmem:$0xAE00] =	vst v63  }
0x20f: {  	_ =	swait.ge [sflag:s0], $0x2000  }
0x210: {  	[sflag:s0] =	ssyncset.done $0x0  }
0x211: {  	s12 =	simm.s32 $0x2800;
	s11 =	rddreg [dreg:$0x16];
	[sflag:s0] =	ssyncadd.s32 $0xFFFFE000  }
0x212: {  	[tilespmem:s1], [sflag:$0x1] =	stream.indirect.gather [hbm4b:s11+s30], $0x10, s12, s30, $0xb8;
	[tilespmem:$0xAE00] =	vst v63  }
0x213: {  	_ =	swait.ge [sflag:s6], $0x2000  }
0x214: {  	[sflag:s6] =	ssyncset.done $0x0  }
0x215: {  	[sflag:s6] =	ssyncadd.s32 $0xFFFFE000  }
0x216: {  	[hbm4b:s21+s3] =	stream.strided.scatter [tilespmem:s2], [sflag:$0x3], $0x2000, s4, s3, $0x38;
	[tilespmem:$0xAE00] =	vst v63  }
0x217: {  	_ =	swait.ge [sflag:s0], $0x2000  }
0x218: {  	[sflag:s0] =	ssyncset.done $0x0  }
0x219: {  	s12 =	simm.s32 $0x2A00;
	s11 =	rddreg [dreg:$0x17];
	[sflag:s0] =	ssyncadd.s32 $0xFFFFE000  }
0x21a: {  	[tilespmem:s2], [sflag:$0x2] =	stream.indirect.gather [hbm4b:s11+s30], $0x10, s12, s30, $0xb8;
	[tilespmem:$0xAE00] =	vst v63  }
0x21b: {  	_ =	swait.ge [sflag:s5], $0x2000  }
0x21c: {  	[sflag:s5] =	ssyncset.done $0x0  }
0x21d: {  	[sflag:s5] =	ssyncadd.s32 $0xFFFFE000  }
0x21e: {  	[hbm4b:s23+s3] =	stream.strided.scatter [tilespmem:s1], [sflag:$0x3], $0x2000, s4, s3, $0x38;
	[tilespmem:$0xAE00] =	vst v63  }
0x21f: {  	_ =	swait.ge [sflag:s0], $0x2000  }
0x220: {  	[sflag:s0] =	ssyncset.done $0x0  }
0x221: {  	s12 =	simm.s32 $0x2C00;
	s11 =	rddreg [dreg:$0x18];
	[sflag:s0] =	ssyncadd.s32 $0xFFFFE000  }
0x222: {  	[tilespmem:s1], [sflag:$0x1] =	stream.indirect.gather [hbm4b:s11+s30], $0x10, s12, s30, $0xb8;
	[tilespmem:$0xAE00] =	vst v63  }
0x223: {  	_ =	swait.ge [sflag:s6], $0x2000  }
0x224: {  	[sflag:s6] =	ssyncset.done $0x0  }
0x225: {  	[sflag:s6] =	ssyncadd.s32 $0xFFFFE000  }
0x226: {  	[hbm4b:s24+s3] =	stream.strided.scatter [tilespmem:s2], [sflag:$0x3], $0x2000, s4, s3, $0x38;
	[tilespmem:$0xAE00] =	vst v63  }
0x227: {  	_ =	swait.ge [sflag:s0], $0x2000  }
0x228: {  	[sflag:s0] =	ssyncset.done $0x0  }
0x229: {  	s12 =	simm.s32 $0x2E00;
	s11 =	rddreg [dreg:$0x19];
	[sflag:s0] =	ssyncadd.s32 $0xFFFFE000  }
0x22a: {  	[tilespmem:s2], [sflag:$0x2] =	stream.indirect.gather [hbm4b:s11+s30], $0x10, s12, s30, $0xb8;
	[tilespmem:$0xAE00] =	vst v63  }
0x22b: {  	_ =	swait.ge [sflag:s5], $0x2000  }
0x22c: {  	[sflag:s5] =	ssyncset.done $0x0  }
0x22d: {  	[sflag:s5] =	ssyncadd.s32 $0xFFFFE000  }
0x22e: {  	[hbm4b:s25+s3] =	stream.strided.scatter [tilespmem:s1], [sflag:$0x3], $0x2000, s4, s3, $0x38;
	[tilespmem:$0xAE00] =	vst v63  }
0x22f: {  	_ =	swait.ge [sflag:s0], $0x2000  }
0x230: {  	[sflag:s0] =	ssyncset.done $0x0  }
0x231: {  	s12 =	simm.s32 $0x3000;
	s11 =	rddreg [dreg:$0x1a];
	[sflag:s0] =	ssyncadd.s32 $0xFFFFE000  }
0x232: {  	[tilespmem:s1], [sflag:$0x1] =	stream.indirect.gather [hbm4b:s11+s30], $0x10, s12, s30, $0xb8;
	[tilespmem:$0xAE00] =	vst v63  }
0x233: {  	_ =	swait.ge [sflag:s6], $0x2000  }
0x234: {  	[sflag:s6] =	ssyncset.done $0x0  }
0x235: {  	[sflag:s6] =	ssyncadd.s32 $0xFFFFE000  }
0x236: {  	[hbm4b:s26+s3] =	stream.strided.scatter [tilespmem:s2], [sflag:$0x3], $0x2000, s4, s3, $0x38;
	[tilespmem:$0xAE00] =	vst v63  }
0x237: {  	_ =	swait.ge [sflag:s0], $0x2000  }
0x238: {  	[sflag:s0] =	ssyncset.done $0x0  }
0x239: {  	s11 =	simm.s32 $0x3200;
	s10 =	rddreg [dreg:$0x1b];
	[sflag:s0] =	ssyncadd.s32 $0xFFFFE000  }
0x23a: {  	[tilespmem:s2], [sflag:$0x2] =	stream.indirect.gather [hbm4b:s10+s30], $0x10, s11, s30, $0xb8;
	[tilespmem:$0xAE00] =	vst v63  }
0x23b: {  	_ =	swait.ge [sflag:s5], $0x2000  }
0x23c: {  	[sflag:s5] =	ssyncset.done $0x0  }
0x23d: {  	[sflag:s5] =	ssyncadd.s32 $0xFFFFE000  }
0x23e: {  	[hbm4b:s28+s3] =	stream.strided.scatter [tilespmem:s1], [sflag:$0x3], $0x2000, s4, s3, $0x38;
	[tilespmem:$0xAE00] =	vst v63  }
0x23f: {  	_ =	swait.ge [sflag:s0], $0x2000  }
0x240: {  	[sflag:s0] =	ssyncset.done $0x0  }
0x241: {  	[sflag:s0] =	ssyncadd.s32 $0xFFFFE000  }
0x242: {  	_ =	swait.ge [sflag:s6], $0x2000  }
0x243: {  	[sflag:s6] =	ssyncset.done $0x0  }
0x244: {  	[sflag:s6] =	ssyncadd.s32 $0xFFFFE000  }
0x245: {  	[hbm4b:s29+s3] =	stream.strided.scatter [tilespmem:s2], [sflag:$0x3], $0x2000, s4, s3, $0x38;
	[tilespmem:$0xAE00] =	vst v63  }
0x246: {  	_ =	swait.ge [sflag:s0], $0x2000  }
0x247: {  	s7 =	sadd.s32 $0x1, s7;
	s12 =	rddreg [dreg:$0x1f]  }
0x248: {  	p0 =	sne.s32 s7, s12  }
.Ltmp1:
0x249: {  	_ = 	snop;
	(pc) =	sbr.rel @p0 .LBB2_1-.Ltmp1, $3  }
0x24a: {  	_ =	sdelay $0x1  }
0x24b: {  	[sflag:s0] =	ssyncset.done $0x0  }
0x24c: {  	[sflag:s0] =	ssyncadd.s32 $0xFFFFE000  }
0x24d: {  	_ =	sfence.sel $0x180000  }
0x24e: {  	[bflag:$0x0] =	sbarrier.arrive $0xFFFF  }
0x24f: {  	_ =	strace $0x90000047  }
0x250: {  	s0 =	stileid.u32;
	[bflag:$0x2] =	sbarrier.arrive $0xFFFF  }
0x251: {  	p0 =	sne.s32 s0, $0x0;
	s0 =	rddreg [dreg:$0x2]  }
0x252: {  	s0 =	sadd.s32 @!p0 $0x100000, s0  }
0x253: {  	[sflag:s0] =	ssyncadd.tile.s32 @!p0 $0x1;
	_ =	shalt  }
.Lfunc_end2:
_tile_overlayer_lowered:
.L_overlay_start_2:
0x254: {  	(tag) =	ssettag $0x2  }
0x255: {  	s0 =	rddreg [dreg:$0x0];
	s2 =	stileid.u32  }
0x256: {  	s1 =	rddreg [dreg:$0x1];
	p0 =	sne.s32 s2, $0x0  }
0x257: {  	s3 =	rddreg [dreg:$0x2];
	[bflag:$0x3] =	sbarrier.arrive $0xFFFF;
	s2 =	simm.s32 @!p0 $0x1C03  }
0x258: {  	[timem:s3], [sflag:s2] =	dma.local @!p0 [hbm:s0], s1  }
0x259: {  	s0 =	simm.s32 @!p0 $0x3  }
0x25a: {  	_ =	swait.ge @!p0 [sflag:s0], s1  }
0x25b: {  	s1 =	ssub.s32 @!p0 $0x0, s1;
	[sflag:s0] =	ssyncset.done @!p0 $0x0  }
0x25c: {  	[sflag:s0] =	ssyncadd.s32 @!p0 s1  }
0x25d: {  	[bflag:$0x3] =	sbarrier.arrive $0xFFFF  }
0x25e: {  	_ =	shalt  }

</sc_bundles>
